<compile_context>
chip_gen: v7x
topology: tpu7x:2x2x1
jax: 0.10.2.dev20260603
libtpu: 0.0.44.dev20260713+nightly
codegen_flags: <defaults>
</compile_context>

<pallas_src>
import jax
import jax.numpy as jnp
from jax import lax
from jax.experimental import pallas as pl
from jax.experimental.pallas import tpu as pltpu
from jax.experimental.pallas import tpu_sc as plsc

N, E, D = 10000, 320000, 128
DW = D // 2
NC, NS, L = 2, 16, 16
NW = NC * NS
E_PER_W = E // NW
CHUNK = 200
N_CHUNKS = E_PER_W // CHUNK
N_PAIRS = N_CHUNKS // 2

_bc = lax.bitcast_convert_type
_MHI = -65536


def _mul_chunk(rs, rd, prod):

    def row_body(rr, carry):
        for h in range(2):
            r = 2 * rr + h
            for j in range(DW // L):
                sl = pl.ds(j * L, L)
                ws = rs[r, sl]
                wd = rd[r, sl]
                ae = _bc(ws << 16, jnp.float32)
                ao = _bc(ws & _MHI, jnp.float32)
                be = _bc(wd << 16, jnp.float32)
                bo = _bc(wd & _MHI, jnp.float32)
                re = _bc(ae * be, jnp.int32) + 0x8000
                ro = _bc(ao * bo, jnp.int32) + 0x8000
                prod[rr, pl.ds(h * DW + j * L, L)] = (
                    lax.shift_right_logical(re, 16) | (ro & _MHI))
        return carry

    lax.fori_loop(0, CHUNK // 2, row_body, None, unroll=False)


def _sc_gather_mul(src_hbm, dst_hbm, z_hbm, x_hbm,
                   isA, idA, isB, idB,
                   rsA, rdA, prA, rsB, rdB, prB, z_sh,
                   isem_a, isem_b, gsem_a, gsem_b, osem_a, osem_b):
    sid = lax.axis_index("s")
    wid = sid * NC + lax.axis_index("c")
    base = wid * E_PER_W

    rows_per_sub = N // NS
    r0 = sid * rows_per_sub
    pltpu.sync_copy(z_hbm.at[pl.ds(r0, rows_per_sub)],
                    z_sh.at[pl.ds(r0, rows_per_sub)])
    plsc.subcore_barrier()

    def issue_idx(c, i_s, i_d, sem):
        off = base + c * CHUNK
        pltpu.async_copy(src_hbm.at[pl.ds(off, CHUNK)], i_s, sem)
        pltpu.async_copy(dst_hbm.at[pl.ds(off, CHUNK)], i_d, sem)

    def drain_idx(i_s, i_d, sem):
        pltpu.make_async_copy(src_hbm.at[pl.ds(0, CHUNK)], i_s, sem).wait()
        pltpu.make_async_copy(dst_hbm.at[pl.ds(0, CHUNK)], i_d, sem).wait()

    def gather(i_s, i_d, rs, rd, sem):
        pltpu.async_copy(z_sh.at[i_s], rs, sem)
        pltpu.async_copy(z_sh.at[i_d], rd, sem)

    def drain_gather(i_s, i_d, rs, rd, sem):
        pltpu.make_async_copy(z_sh.at[i_s], rs, sem).wait()
        pltpu.make_async_copy(z_sh.at[i_d], rd, sem).wait()

    def drain_out(pr, sem):
        pltpu.make_async_copy(pr, x_hbm.at[pl.ds(0, CHUNK // 2)], sem).wait()

    issue_idx(0, isA, idA, isem_a)
    issue_idx(1, isB, idB, isem_b)
    drain_idx(isA, idA, isem_a)
    gather(isA, idA, rsA, rdA, gsem_a)

    def pair_body(k, carry):
        c0 = 2 * k
        last = N_PAIRS - 1

        drain_idx(isB, idB, isem_b)
        gather(isB, idB, rsB, rdB, gsem_b)

        drain_gather(isA, idA, rsA, rdA, gsem_a)

        @pl.when(k < last)
        def _():
            issue_idx(c0 + 2, isA, idA, isem_a)

        @pl.when(k > 0)
        def _():
            drain_out(prA, osem_a)

        _mul_chunk(rsA, rdA, prA)
        pltpu.async_copy(prA,
                         x_hbm.at[pl.ds((base + c0 * CHUNK) // 2, CHUNK // 2)],
                         osem_a)

        @pl.when(k < last)
        def _():
            drain_idx(isA, idA, isem_a)
            gather(isA, idA, rsA, rdA, gsem_a)

        drain_gather(isB, idB, rsB, rdB, gsem_b)

        @pl.when(k < last)
        def _():
            issue_idx(c0 + 3, isB, idB, isem_b)

        @pl.when(k > 0)
        def _():
            drain_out(prB, osem_b)

        _mul_chunk(rsB, rdB, prB)
        pltpu.async_copy(
            prB,
            x_hbm.at[pl.ds((base + (c0 + 1) * CHUNK) // 2, CHUNK // 2)],
            osem_b)
        return carry

    lax.fori_loop(0, N_PAIRS, pair_body, None, unroll=False)
    drain_out(prA, osem_a)
    drain_out(prB, osem_b)


def _gather_mul(zw, src, dst):
    mesh = plsc.VectorSubcoreMesh(core_axis_name="c", subcore_axis_name="s",
                                  num_cores=NC, num_subcores=NS)
    return pl.kernel(
        _sc_gather_mul,
        out_type=jax.ShapeDtypeStruct((E // 2, D), jnp.int32),
        mesh=mesh,
        compiler_params=pltpu.CompilerParams(use_tc_tiling_on_sc=False),
        scratch_types=[
            pltpu.VMEM((CHUNK,), jnp.int32),
            pltpu.VMEM((CHUNK,), jnp.int32),
            pltpu.VMEM((CHUNK,), jnp.int32),
            pltpu.VMEM((CHUNK,), jnp.int32),
            pltpu.VMEM((CHUNK, DW), jnp.int32),
            pltpu.VMEM((CHUNK, DW), jnp.int32),
            pltpu.VMEM((CHUNK // 2, D), jnp.int32),
            pltpu.VMEM((CHUNK, DW), jnp.int32),
            pltpu.VMEM((CHUNK, DW), jnp.int32),
            pltpu.VMEM((CHUNK // 2, D), jnp.int32),
            pltpu.VMEM_SHARED((N, DW), jnp.int32),
            pltpu.SemaphoreType.DMA,
            pltpu.SemaphoreType.DMA,
            pltpu.SemaphoreType.DMA,
            pltpu.SemaphoreType.DMA,
            pltpu.SemaphoreType.DMA,
            pltpu.SemaphoreType.DMA,
        ],
    )(src, dst, zw)


E2 = E // 2
E2_BLK = 1600


def _tc_mlp(xw_ref, w1a_ref, w1b_ref, b1_ref, w2_ref, b2_ref, o_ref):
    w = xw_ref[...]
    xe = _bc(w << 16, jnp.float32).astype(jnp.bfloat16)
    xo = _bc(w & _MHI, jnp.float32).astype(jnp.bfloat16)
    w1a = w1a_ref[...]
    w1b = w1b_ref[...]
    he = jnp.dot(xe[:, :DW], w1a, preferred_element_type=jnp.float32)
    he += jnp.dot(xo[:, :DW], w1b, preferred_element_type=jnp.float32)
    ho = jnp.dot(xe[:, DW:], w1a, preferred_element_type=jnp.float32)
    ho += jnp.dot(xo[:, DW:], w1b, preferred_element_type=jnp.float32)
    he = jnp.maximum(he + b1_ref[...], 0.0)
    ho = jnp.maximum(ho + b1_ref[...], 0.0)
    oe = jnp.sum(he * w2_ref[...], axis=1, keepdims=True) + b2_ref[...]
    oo = jnp.sum(ho * w2_ref[...], axis=1, keepdims=True) + b2_ref[...]
    o_ref[...] = jnp.concatenate([oe, oo], axis=1)


def _mlp(xw, W1a, W1b, b1, W2, b2):
    grid = (E2 // E2_BLK,)
    return pl.pallas_call(
        _tc_mlp,
        grid=grid,
        in_specs=[
            pl.BlockSpec((E2_BLK, D), lambda i: (i, 0)),
            pl.BlockSpec((DW, D), lambda i: (0, 0)),
            pl.BlockSpec((DW, D), lambda i: (0, 0)),
            pl.BlockSpec((1, D), lambda i: (0, 0)),
            pl.BlockSpec((1, D), lambda i: (0, 0)),
            pl.BlockSpec((1, 1), lambda i: (0, 0)),
        ],
        out_specs=pl.BlockSpec((E2_BLK, 2), lambda i: (i, 0)),
        out_shape=jax.ShapeDtypeStruct((E2, 2), jnp.float32),
    )(xw, W1a, W1b, b1.reshape(1, D), W2.reshape(1, D), b2.reshape(1, 1))


def kernel(z, edge, W1, b1, W2, b2):
    zb = z.astype(jnp.bfloat16)
    lo = _bc(zb[:, :DW], jnp.uint16).astype(jnp.int32)
    hi = _bc(zb[:, DW:], jnp.uint16).astype(jnp.int32)
    zw = lo | (hi << 16)
    xw = _gather_mul(zw, edge[0], edge[1])
    W1a = W1[:DW, :].astype(jnp.bfloat16)
    W1b = W1[DW:, :].astype(jnp.bfloat16)
    return _mlp(xw, W1a, W1b, b1, W2, b2).reshape(E, 1)

# --- scband reference (transcript-rebuilt; emitter-appended) ---
"""Pipeline reference for scband-mask-gae-24146306138290 (READ-ONLY COPY).

The authoritative reference and input builder live on the scoring server;
editing this copy changes nothing except your own understanding.
"""

import jax, jax.numpy as jnp
import numpy as np

N, E, D, H, OUT = 10000, 320000, 128, 128, 1

def setup_inputs(seed: int = 0) -> dict:
    key = jax.random.key(seed)
    k1, k2, k3, k4 = jax.random.split(key, 4)
    z = jax.random.normal(k1, (N, D), dtype=jnp.float32)
    edge = jax.random.randint(k2, (2, E), 0, N, dtype=jnp.int32)
    W1 = jax.random.normal(k3, (D, H), dtype=jnp.float32) * 0.05
    b1 = jnp.zeros((H,), dtype=jnp.float32)
    W2 = jax.random.normal(k4, (H, OUT), dtype=jnp.float32) * 0.05
    b2 = jnp.zeros((OUT,), dtype=jnp.float32)
    return {"z": z, "edge": edge, "W1": W1, "b1": b1, "W2": W2, "b2": b2}

def reference(z, edge, W1, b1, W2, b2):
    # EdgeDecoder.forward(z, edge, sigmoid=False) in eval mode (dropout = identity)
    # x = z[edge[0]] * z[edge[1]]  -- irregular gather over E edges (memory bound)
    src = jnp.take(z, edge[0], axis=0)
    dst = jnp.take(z, edge[1], axis=0)
    x = src * dst
    # mlps[:-1] with ReLU activation
    x = jax.nn.relu(x @ W1 + b1)
    # final linear, sigmoid=False as used in MaskGAE.forward
    out = x @ W2 + b2
    return out

if __name__ == "__main__":
    import jax
    _d = setup_inputs()
    print(jax.jit(kernel)(*tuple(_d.values())))

</pallas_src>

<mosaic_0001>
#map = affine_map<(d0, d1) -> (0)>
#map1 = affine_map<(d0, d1) -> (0, 0)>
module attributes {stable_mosaic.version = 14 : i64} {
  func.func @_sc_gather_mul(%arg0: i32, %arg1: i32, %arg2: memref<320000xi32, #tpu.memory_space<hbm>>, %arg3: memref<320000xi32, #tpu.memory_space<hbm>>, %arg4: memref<10000x64xi32, #tpu.memory_space<hbm>>, %arg5: memref<160000x128xi32, #tpu.memory_space<hbm>>, %arg6: memref<200xi32, #tpu.memory_space<vmem>>, %arg7: memref<200xi32, #tpu.memory_space<vmem>>, %arg8: memref<200xi32, #tpu.memory_space<vmem>>, %arg9: memref<200xi32, #tpu.memory_space<vmem>>, %arg10: memref<200x64xi32, #tpu.memory_space<vmem>>, %arg11: memref<200x64xi32, #tpu.memory_space<vmem>>, %arg12: memref<100x128xi32, #tpu.memory_space<vmem>>, %arg13: memref<200x64xi32, #tpu.memory_space<vmem>>, %arg14: memref<200x64xi32, #tpu.memory_space<vmem>>, %arg15: memref<100x128xi32, #tpu.memory_space<vmem>>, %arg16: memref<10000x64xi32, #tpu.memory_space<vmem_shared>>, %arg17: memref<!tpu.dma_semaphore, #tpu.memory_space<semaphore_mem>>, %arg18: memref<!tpu.dma_semaphore, #tpu.memory_space<semaphore_mem>>, %arg19: memref<!tpu.dma_semaphore, #tpu.memory_space<semaphore_mem>>, %arg20: memref<!tpu.dma_semaphore, #tpu.memory_space<semaphore_mem>>, %arg21: memref<!tpu.dma_semaphore, #tpu.memory_space<semaphore_mem>>, %arg22: memref<!tpu.dma_semaphore, #tpu.memory_space<semaphore_mem>>) attributes {dimension_semantics = [#tpu.dimension_semantics<core_parallel>, #tpu.dimension_semantics<subcore_parallel>], iteration_bounds = array<i64: 2, 16>, scalar_prefetch = 0 : i64, scratch_operands = 17 : i64, tpu.core_type = #tpu.core_type<sc_vector_subcore>, window_params = [{transform_indices = #map}, {transform_indices = #map}, {transform_indices = #map1}, {transform_indices = #map1}]} {
    %mul3A = arith.constant 2 : i32
    %mul3A_0 = arith.muli %arg1, %mul3A : i32
    %add3A = arith.addi %mul3A_0, %arg0 : i32
    %mul3A_1 = arith.constant 10000 : i32
    %mul3A_2 = arith.muli %add3A, %mul3A_1 : i32
    %mul3A_3 = arith.constant 625 : i32
    %mul3A_4 = arith.muli %arg1, %mul3A_3 : i32
    "tpu.region"() ({
      %run_scoped3A = tpu.sem_alloc : memref<!tpu.dma_semaphore, #tpu.memory_space<semaphore_mem>>
      %dma_start3A_45 = arith.constant 0 : i32
      %dma_start3A_46 = tpu.memref_slice %arg16[%mul3A_4, %dma_start3A_45] : memref<10000x64xi32, #tpu.memory_space<vmem_shared>> -> memref<625x64xi32, #tpu.memory_space<vmem_shared>>
      %dma_start3A_47 = arith.constant 0 : i32
      %dma_start3A_48 = tpu.memref_slice %arg4[%mul3A_4, %dma_start3A_47] : memref<10000x64xi32, #tpu.memory_space<hbm>> -> memref<625x64xi32, #tpu.memory_space<hbm>>
      tpu.enqueue_dma source(%dma_start3A_48 : memref<625x64xi32, #tpu.memory_space<hbm>>) target(%dma_start3A_46 : memref<625x64xi32, #tpu.memory_space<vmem_shared>>) target_semaphore(%run_scoped3A : memref<!tpu.dma_semaphore, #tpu.memory_space<semaphore_mem>>)
      %dma_wait3A_49 = arith.constant 0 : i32
      %dma_wait3A_50 = tpu.memref_slice %arg16[%mul3A_4, %dma_wait3A_49] : memref<10000x64xi32, #tpu.memory_space<vmem_shared>> -> memref<625x64xi32, #tpu.memory_space<vmem_shared>>
      %dma_wait3A_51 = arith.constant 0 : i32
      %dma_wait3A_52 = tpu.memref_slice %arg4[%mul3A_4, %dma_wait3A_51] : memref<10000x64xi32, #tpu.memory_space<hbm>> -> memref<625x64xi32, #tpu.memory_space<hbm>>
      tpu.wait_dma2 semaphore(%run_scoped3A : memref<!tpu.dma_semaphore, #tpu.memory_space<semaphore_mem>>) src(%dma_wait3A_52 : memref<625x64xi32, #tpu.memory_space<hbm>>) dst(%dma_wait3A_50 : memref<625x64xi32, #tpu.memory_space<vmem_shared>>)
      tpu.yield
    }) : () -> ()
    %barrier3A = arith.constant 0 : index
    tpu.barrier barrier_id(%barrier3A)
    %add3A_5 = arith.constant 0 : i32
    %add3A_6 = arith.addi %mul3A_2, %add3A_5 : i32
    %dma_start3A = tpu.memref_slice %arg2[%add3A_6] : memref<320000xi32, #tpu.memory_space<hbm>> -> memref<200xi32, #tpu.memory_space<hbm>>
    %dma_start3A_7 = tpu.memref_slice %arg2[%add3A_6] : memref<320000xi32, #tpu.memory_space<hbm>> -> memref<200xi32, #tpu.memory_space<hbm>>
    tpu.enqueue_dma source(%dma_start3A_7 : memref<200xi32, #tpu.memory_space<hbm>>) target(%arg6 : memref<200xi32, #tpu.memory_space<vmem>>) target_semaphore(%arg17 : memref<!tpu.dma_semaphore, #tpu.memory_space<semaphore_mem>>)
    %dma_start3A_8 = tpu.memref_slice %arg3[%add3A_6] : memref<320000xi32, #tpu.memory_space<hbm>> -> memref<200xi32, #tpu.memory_space<hbm>>
    %dma_start3A_9 = tpu.memref_slice %arg3[%add3A_6] : memref<320000xi32, #tpu.memory_space<hbm>> -> memref<200xi32, #tpu.memory_space<hbm>>
    tpu.enqueue_dma source(%dma_start3A_9 : memref<200xi32, #tpu.memory_space<hbm>>) target(%arg7 : memref<200xi32, #tpu.memory_space<vmem>>) target_semaphore(%arg17 : memref<!tpu.dma_semaphore, #tpu.memory_space<semaphore_mem>>)
    %add3A_10 = arith.constant 200 : i32
    %add3A_11 = arith.addi %mul3A_2, %add3A_10 : i32
    %dma_start3A_12 = tpu.memref_slice %arg2[%add3A_11] : memref<320000xi32, #tpu.memory_space<hbm>> -> memref<200xi32, #tpu.memory_space<hbm>>
    %dma_start3A_13 = tpu.memref_slice %arg2[%add3A_11] : memref<320000xi32, #tpu.memory_space<hbm>> -> memref<200xi32, #tpu.memory_space<hbm>>
    tpu.enqueue_dma source(%dma_start3A_13 : memref<200xi32, #tpu.memory_space<hbm>>) target(%arg8 : memref<200xi32, #tpu.memory_space<vmem>>) target_semaphore(%arg18 : memref<!tpu.dma_semaphore, #tpu.memory_space<semaphore_mem>>)
    %dma_start3A_14 = tpu.memref_slice %arg3[%add3A_11] : memref<320000xi32, #tpu.memory_space<hbm>> -> memref<200xi32, #tpu.memory_space<hbm>>
    %dma_start3A_15 = tpu.memref_slice %arg3[%add3A_11] : memref<320000xi32, #tpu.memory_space<hbm>> -> memref<200xi32, #tpu.memory_space<hbm>>
    tpu.enqueue_dma source(%dma_start3A_15 : memref<200xi32, #tpu.memory_space<hbm>>) target(%arg9 : memref<200xi32, #tpu.memory_space<vmem>>) target_semaphore(%arg18 : memref<!tpu.dma_semaphore, #tpu.memory_space<semaphore_mem>>)
    %dma_wait3A = arith.constant 0 : i32
    %dma_wait3A_16 = tpu.memref_slice %arg2[%dma_wait3A] : memref<320000xi32, #tpu.memory_space<hbm>> -> memref<200xi32, #tpu.memory_space<hbm>>
    %dma_wait3A_17 = arith.constant 0 : i32
    %dma_wait3A_18 = tpu.memref_slice %arg2[%dma_wait3A_17] : memref<320000xi32, #tpu.memory_space<hbm>> -> memref<200xi32, #tpu.memory_space<hbm>>
    tpu.wait_dma2 semaphore(%arg17 : memref<!tpu.dma_semaphore, #tpu.memory_space<semaphore_mem>>) src(%dma_wait3A_18 : memref<200xi32, #tpu.memory_space<hbm>>) dst(%arg6 : memref<200xi32, #tpu.memory_space<vmem>>)
    %dma_wait3A_19 = arith.constant 0 : i32
    %dma_wait3A_20 = tpu.memref_slice %arg3[%dma_wait3A_19] : memref<320000xi32, #tpu.memory_space<hbm>> -> memref<200xi32, #tpu.memory_space<hbm>>
    %dma_wait3A_21 = arith.constant 0 : i32
    %dma_wait3A_22 = tpu.memref_slice %arg3[%dma_wait3A_21] : memref<320000xi32, #tpu.memory_space<hbm>> -> memref<200xi32, #tpu.memory_space<hbm>>
    tpu.wait_dma2 semaphore(%arg17 : memref<!tpu.dma_semaphore, #tpu.memory_space<semaphore_mem>>) src(%dma_wait3A_22 : memref<200xi32, #tpu.memory_space<hbm>>) dst(%arg7 : memref<200xi32, #tpu.memory_space<vmem>>)
    %dma_start3A_23 = arith.constant 0 : i32
    %dma_start3A_24 = arith.constant 0 : i32
    %dma_start3A_25 = tpu.memref_slice %arg16[%dma_start3A_23, %dma_start3A_24] : memref<10000x64xi32, #tpu.memory_space<vmem_shared>> -> memref<10000x64xi32, #tpu.memory_space<vmem_shared>>
    tpu.enqueue_indirect_dma source(%dma_start3A_25 : memref<10000x64xi32, #tpu.memory_space<vmem_shared>>) target(%arg10 : memref<200x64xi32, #tpu.memory_space<vmem>>) offsets(%arg6 : memref<200xi32, #tpu.memory_space<vmem>>) semaphore(%arg19 : memref<!tpu.dma_semaphore, #tpu.memory_space<semaphore_mem>>)
    %dma_start3A_26 = arith.constant 0 : i32
    %dma_start3A_27 = arith.constant 0 : i32
    %dma_start3A_28 = tpu.memref_slice %arg16[%dma_start3A_26, %dma_start3A_27] : memref<10000x64xi32, #tpu.memory_space<vmem_shared>> -> memref<10000x64xi32, #tpu.memory_space<vmem_shared>>
    tpu.enqueue_indirect_dma source(%dma_start3A_28 : memref<10000x64xi32, #tpu.memory_space<vmem_shared>>) target(%arg11 : memref<200x64xi32, #tpu.memory_space<vmem>>) offsets(%arg7 : memref<200xi32, #tpu.memory_space<vmem>>) semaphore(%arg19 : memref<!tpu.dma_semaphore, #tpu.memory_space<semaphore_mem>>)
    %scan3A = arith.constant 0 : i32
    %scan3A_29 = arith.constant 25 : i32
    %scan3A_30 = arith.addi %scan3A, %scan3A_29 : i32
    %scan3A_31 = arith.constant 1 : i32
    scf.for %scan3A_45 = %scan3A to %scan3A_30 step %scan3A_31  : i32 {
      %mul3A_46 = arith.constant 2 : i32
      %mul3A_47 = arith.muli %mul3A_46, %scan3A_45 : i32
      %dma_wait3A_48 = arith.constant 0 : i32
      %dma_wait3A_49 = tpu.memref_slice %arg2[%dma_wait3A_48] : memref<320000xi32, #tpu.memory_space<hbm>> -> memref<200xi32, #tpu.memory_space<hbm>>
      %dma_wait3A_50 = arith.constant 0 : i32
      %dma_wait3A_51 = tpu.memref_slice %arg2[%dma_wait3A_50] : memref<320000xi32, #tpu.memory_space<hbm>> -> memref<200xi32, #tpu.memory_space<hbm>>
      tpu.wait_dma2 semaphore(%arg18 : memref<!tpu.dma_semaphore, #tpu.memory_space<semaphore_mem>>) src(%dma_wait3A_51 : memref<200xi32, #tpu.memory_space<hbm>>) dst(%arg8 : memref<200xi32, #tpu.memory_space<vmem>>)
      %dma_wait3A_52 = arith.constant 0 : i32
      %dma_wait3A_53 = tpu.memref_slice %arg3[%dma_wait3A_52] : memref<320000xi32, #tpu.memory_space<hbm>> -> memref<200xi32, #tpu.memory_space<hbm>>
      %dma_wait3A_54 = arith.constant 0 : i32
      %dma_wait3A_55 = tpu.memref_slice %arg3[%dma_wait3A_54] : memref<320000xi32, #tpu.memory_space<hbm>> -> memref<200xi32, #tpu.memory_space<hbm>>
      tpu.wait_dma2 semaphore(%arg18 : memref<!tpu.dma_semaphore, #tpu.memory_space<semaphore_mem>>) src(%dma_wait3A_55 : memref<200xi32, #tpu.memory_space<hbm>>) dst(%arg9 : memref<200xi32, #tpu.memory_space<vmem>>)
      %dma_start3A_56 = arith.constant 0 : i32
      %dma_start3A_57 = arith.constant 0 : i32
      %dma_start3A_58 = tpu.memref_slice %arg16[%dma_start3A_56, %dma_start3A_57] : memref<10000x64xi32, #tpu.memory_space<vmem_shared>> -> memref<10000x64xi32, #tpu.memory_space<vmem_shared>>
      tpu.enqueue_indirect_dma source(%dma_start3A_58 : memref<10000x64xi32, #tpu.memory_space<vmem_shared>>) target(%arg13 : memref<200x64xi32, #tpu.memory_space<vmem>>) offsets(%arg8 : memref<200xi32, #tpu.memory_space<vmem>>) semaphore(%arg20 : memref<!tpu.dma_semaphore, #tpu.memory_space<semaphore_mem>>)
      %dma_start3A_59 = arith.constant 0 : i32
      %dma_start3A_60 = arith.constant 0 : i32
      %dma_start3A_61 = tpu.memref_slice %arg16[%dma_start3A_59, %dma_start3A_60] : memref<10000x64xi32, #tpu.memory_space<vmem_shared>> -> memref<10000x64xi32, #tpu.memory_space<vmem_shared>>
      tpu.enqueue_indirect_dma source(%dma_start3A_61 : memref<10000x64xi32, #tpu.memory_space<vmem_shared>>) target(%arg14 : memref<200x64xi32, #tpu.memory_space<vmem>>) offsets(%arg9 : memref<200xi32, #tpu.memory_space<vmem>>) semaphore(%arg20 : memref<!tpu.dma_semaphore, #tpu.memory_space<semaphore_mem>>)
      %dma_wait3A_62 = arith.constant 0 : i32
      %dma_wait3A_63 = arith.constant 0 : i32
      %dma_wait3A_64 = tpu.memref_slice %arg16[%dma_wait3A_62, %dma_wait3A_63] : memref<10000x64xi32, #tpu.memory_space<vmem_shared>> -> memref<10000x64xi32, #tpu.memory_space<vmem_shared>>
      tpu.wait_indirect_dma semaphore(%arg19 : memref<!tpu.dma_semaphore, #tpu.memory_space<semaphore_mem>>) src(%dma_wait3A_64 : memref<10000x64xi32, #tpu.memory_space<vmem_shared>>) dst(%arg10 : memref<200x64xi32, #tpu.memory_space<vmem>>)
      %dma_wait3A_65 = arith.constant 0 : i32
      %dma_wait3A_66 = arith.constant 0 : i32
      %dma_wait3A_67 = tpu.memref_slice %arg16[%dma_wait3A_65, %dma_wait3A_66] : memref<10000x64xi32, #tpu.memory_space<vmem_shared>> -> memref<10000x64xi32, #tpu.memory_space<vmem_shared>>
      tpu.wait_indirect_dma semaphore(%arg19 : memref<!tpu.dma_semaphore, #tpu.memory_space<semaphore_mem>>) src(%dma_wait3A_67 : memref<10000x64xi32, #tpu.memory_space<vmem_shared>>) dst(%arg11 : memref<200x64xi32, #tpu.memory_space<vmem>>)
      %lt3A = arith.constant 24 : i32
      %lt3A_68 = arith.cmpi slt, %scan3A_45, %lt3A : i32
      %convert_element_type3A = arith.extui %lt3A_68 : i1 to i32
      %cond3A = arith.constant 0 : i32
      %cond3A_69 = arith.cmpi ne, %convert_element_type3A, %cond3A : i32
      scf.if %cond3A_69 {
        %add3A_161 = arith.constant 2 : i32
        %add3A_162 = arith.addi %mul3A_47, %add3A_161 : i32
        %mul3A_163 = arith.constant 200 : i32
        %mul3A_164 = arith.muli %add3A_162, %mul3A_163 : i32
        %add3A_165 = arith.addi %mul3A_2, %mul3A_164 : i32
        %dma_start3A_166 = tpu.memref_slice %arg2[%add3A_165] : memref<320000xi32, #tpu.memory_space<hbm>> -> memref<200xi32, #tpu.memory_space<hbm>>
        %dma_start3A_167 = tpu.memref_slice %arg2[%add3A_165] : memref<320000xi32, #tpu.memory_space<hbm>> -> memref<200xi32, #tpu.memory_space<hbm>>
        tpu.enqueue_dma source(%dma_start3A_167 : memref<200xi32, #tpu.memory_space<hbm>>) target(%arg6 : memref<200xi32, #tpu.memory_space<vmem>>) target_semaphore(%arg17 : memref<!tpu.dma_semaphore, #tpu.memory_space<semaphore_mem>>)
        %dma_start3A_168 = tpu.memref_slice %arg3[%add3A_165] : memref<320000xi32, #tpu.memory_space<hbm>> -> memref<200xi32, #tpu.memory_space<hbm>>
        %dma_start3A_169 = tpu.memref_slice %arg3[%add3A_165] : memref<320000xi32, #tpu.memory_space<hbm>> -> memref<200xi32, #tpu.memory_space<hbm>>
        tpu.enqueue_dma source(%dma_start3A_169 : memref<200xi32, #tpu.memory_space<hbm>>) target(%arg7 : memref<200xi32, #tpu.memory_space<vmem>>) target_semaphore(%arg17 : memref<!tpu.dma_semaphore, #tpu.memory_space<semaphore_mem>>)
      } else {
      }
      %gt3A = arith.constant 0 : i32
      %gt3A_70 = arith.cmpi sgt, %scan3A_45, %gt3A : i32
      %convert_element_type3A_71 = arith.extui %gt3A_70 : i1 to i32
      %cond3A_72 = arith.constant 0 : i32
      %cond3A_73 = arith.cmpi ne, %convert_element_type3A_71, %cond3A_72 : i32
      scf.if %cond3A_73 {
        %dma_wait3A_161 = arith.constant 0 : i32
        %dma_wait3A_162 = arith.constant 0 : i32
        %dma_wait3A_163 = tpu.memref_slice %arg5[%dma_wait3A_161, %dma_wait3A_162] : memref<160000x128xi32, #tpu.memory_space<hbm>> -> memref<100x128xi32, #tpu.memory_space<hbm>>
        %dma_wait3A_164 = arith.constant 0 : i32
        %dma_wait3A_165 = arith.constant 0 : i32
        %dma_wait3A_166 = tpu.memref_slice %arg5[%dma_wait3A_164, %dma_wait3A_165] : memref<160000x128xi32, #tpu.memory_space<hbm>> -> memref<100x128xi32, #tpu.memory_space<hbm>>
        tpu.wait_dma2 semaphore(%arg21 : memref<!tpu.dma_semaphore, #tpu.memory_space<semaphore_mem>>) src(%arg12 : memref<100x128xi32, #tpu.memory_space<vmem>>) dst(%dma_wait3A_166 : memref<100x128xi32, #tpu.memory_space<hbm>>)
      } else {
      }
      %scan3A_74 = arith.constant 0 : i32
      %scan3A_75 = arith.constant 100 : i32
      %scan3A_76 = arith.addi %scan3A_74, %scan3A_75 : i32
      %scan3A_77 = arith.constant 1 : i32
      scf.for %scan3A_161 = %scan3A_74 to %scan3A_76 step %scan3A_77  : i32 {
        %mul3A_162 = arith.constant 2 : i32
        %mul3A_163 = arith.muli %mul3A_162, %scan3A_161 : i32
        %add3A_164 = arith.constant 0 : i32
        %add3A_165 = arith.addi %mul3A_163, %add3A_164 : i32
        %get3A = arith.index_cast %add3A_165 : i32 to index
        %get3A_166 = arith.constant 0 : index
        %get3A_167 = tpu.vector_load %arg10[%get3A, %get3A_166] {strides = array<i32>} : memref<200x64xi32, #tpu.memory_space<vmem>>, vector<1x16xi32>,
        %get3A_168 = vector.shape_cast %get3A_167 : vector<1x16xi32> to vector<16xi32>
        %get3A_169 = arith.index_cast %add3A_165 : i32 to index
        %get3A_170 = arith.constant 0 : index
        %get3A_171 = tpu.vector_load %arg11[%get3A_169, %get3A_170] {strides = array<i32>} : memref<200x64xi32, #tpu.memory_space<vmem>>, vector<1x16xi32>,
        %get3A_172 = vector.shape_cast %get3A_171 : vector<1x16xi32> to vector<16xi32>
        %shift_left3A = arith.constant 16 : i32
        %shift_left3A_173 = vector.broadcast %shift_left3A : i32 to vector<16xi32>
        %shift_left3A_174 = arith.shli %get3A_168, %shift_left3A_173 : vector<16xi32>
        %bitcast_convert_type3A = tpu.bitcast %shift_left3A_174 : vector<16xi32> -> vector<16xf32>
        %and3A_175 = arith.constant -65536 : i32
        %and3A_176 = vector.broadcast %and3A_175 : i32 to vector<16xi32>
        %and3A_177 = arith.andi %get3A_168, %and3A_176 : vector<16xi32>
        %bitcast_convert_type3A_178 = tpu.bitcast %and3A_177 : vector<16xi32> -> vector<16xf32>
        %shift_left3A_179 = arith.constant 16 : i32
        %shift_left3A_180 = vector.broadcast %shift_left3A_179 : i32 to vector<16xi32>
        %shift_left3A_181 = arith.shli %get3A_172, %shift_left3A_180 : vector<16xi32>
        %bitcast_convert_type3A_182 = tpu.bitcast %shift_left3A_181 : vector<16xi32> -> vector<16xf32>
        %and3A_183 = arith.constant -65536 : i32
        %and3A_184 = vector.broadcast %and3A_183 : i32 to vector<16xi32>
        %and3A_185 = arith.andi %get3A_172, %and3A_184 : vector<16xi32>
        %bitcast_convert_type3A_186 = tpu.bitcast %and3A_185 : vector<16xi32> -> vector<16xf32>
        %mul3A_187 = arith.mulf %bitcast_convert_type3A, %bitcast_convert_type3A_182 : vector<16xf32>
        %bitcast_convert_type3A_188 = tpu.bitcast %mul3A_187 : vector<16xf32> -> vector<16xi32>
        %add3A_189 = arith.constant 32768 : i32
        %add3A_190 = vector.broadcast %add3A_189 : i32 to vector<16xi32>
        %add3A_191 = arith.addi %bitcast_convert_type3A_188, %add3A_190 : vector<16xi32>
        %mul3A_192 = arith.mulf %bitcast_convert_type3A_178, %bitcast_convert_type3A_186 : vector<16xf32>
        %bitcast_convert_type3A_193 = tpu.bitcast %mul3A_192 : vector<16xf32> -> vector<16xi32>
        %add3A_194 = arith.constant 32768 : i32
        %add3A_195 = vector.broadcast %add3A_194 : i32 to vector<16xi32>
        %add3A_196 = arith.addi %bitcast_convert_type3A_193, %add3A_195 : vector<16xi32>
        %shift_right_logical3A = arith.constant 16 : i32
        %shift_right_logical3A_197 = vector.broadcast %shift_right_logical3A : i32 to vector<16xi32>
        %shift_right_logical3A_198 = arith.shrui %add3A_191, %shift_right_logical3A_197 : vector<16xi32>
        %and3A_199 = arith.constant -65536 : i32
        %and3A_200 = vector.broadcast %and3A_199 : i32 to vector<16xi32>
        %and3A_201 = arith.andi %add3A_196, %and3A_200 : vector<16xi32>
        %or3A = arith.ori %shift_right_logical3A_198, %and3A_201 : vector<16xi32>
        %swap3A = arith.index_cast %scan3A_161 : i32 to index
        %swap3A_202 = arith.constant 0 : index
        %swap3A_203 = tpu.vector_load %arg12[%swap3A, %swap3A_202] {strides = array<i32>} : memref<100x128xi32, #tpu.memory_space<vmem>>, vector<1x16xi32>,
        %swap3A_204 = vector.shape_cast %swap3A_203 : vector<1x16xi32> to vector<16xi32>
        %swap3A_205 = vector.shape_cast %or3A : vector<16xi32> to vector<1x16xi32>
        tpu.vector_store %arg12[%swap3A, %swap3A_202], %swap3A_205 {strides = array<i32>} : memref<100x128xi32, #tpu.memory_space<vmem>>, vector<1x16xi32>,
        %get3A_206 = arith.index_cast %add3A_165 : i32 to index
        %get3A_207 = arith.constant 16 : index
        %get3A_208 = tpu.vector_load %arg10[%get3A_206, %get3A_207] {strides = array<i32>} : memref<200x64xi32, #tpu.memory_space<vmem>>, vector<1x16xi32>,
        %get3A_209 = vector.shape_cast %get3A_208 : vector<1x16xi32> to vector<16xi32>
        %get3A_210 = arith.index_cast %add3A_165 : i32 to index
        %get3A_211 = arith.constant 16 : index
        %get3A_212 = tpu.vector_load %arg11[%get3A_210, %get3A_211] {strides = array<i32>} : memref<200x64xi32, #tpu.memory_space<vmem>>, vector<1x16xi32>,
        %get3A_213 = vector.shape_cast %get3A_212 : vector<1x16xi32> to vector<16xi32>
        %shift_left3A_214 = arith.constant 16 : i32
        %shift_left3A_215 = vector.broadcast %shift_left3A_214 : i32 to vector<16xi32>
        %shift_left3A_216 = arith.shli %get3A_209, %shift_left3A_215 : vector<16xi32>
        %bitcast_convert_type3A_217 = tpu.bitcast %shift_left3A_216 : vector<16xi32> -> vector<16xf32>
        %and3A_218 = arith.constant -65536 : i32
        %and3A_219 = vector.broadcast %and3A_218 : i32 to vector<16xi32>
        %and3A_220 = arith.andi %get3A_209, %and3A_219 : vector<16xi32>
        %bitcast_convert_type3A_221 = tpu.bitcast %and3A_220 : vector<16xi32> -> vector<16xf32>
        %shift_left3A_222 = arith.constant 16 : i32
        %shift_left3A_223 = vector.broadcast %shift_left3A_222 : i32 to vector<16xi32>
        %shift_left3A_224 = arith.shli %get3A_213, %shift_left3A_223 : vector<16xi32>
        %bitcast_convert_type3A_225 = tpu.bitcast %shift_left3A_224 : vector<16xi32> -> vector<16xf32>
        %and3A_226 = arith.constant -65536 : i32
        %and3A_227 = vector.broadcast %and3A_226 : i32 to vector<16xi32>
        %and3A_228 = arith.andi %get3A_213, %and3A_227 : vector<16xi32>
        %bitcast_convert_type3A_229 = tpu.bitcast %and3A_228 : vector<16xi32> -> vector<16xf32>
        %mul3A_230 = arith.mulf %bitcast_convert_type3A_217, %bitcast_convert_type3A_225 : vector<16xf32>
        %bitcast_convert_type3A_231 = tpu.bitcast %mul3A_230 : vector<16xf32> -> vector<16xi32>
        %add3A_232 = arith.constant 32768 : i32
        %add3A_233 = vector.broadcast %add3A_232 : i32 to vector<16xi32>
        %add3A_234 = arith.addi %bitcast_convert_type3A_231, %add3A_233 : vector<16xi32>
        %mul3A_235 = arith.mulf %bitcast_convert_type3A_221, %bitcast_convert_type3A_229 : vector<16xf32>
        %bitcast_convert_type3A_236 = tpu.bitcast %mul3A_235 : vector<16xf32> -> vector<16xi32>
        %add3A_237 = arith.constant 32768 : i32
        %add3A_238 = vector.broadcast %add3A_237 : i32 to vector<16xi32>
        %add3A_239 = arith.addi %bitcast_convert_type3A_236, %add3A_238 : vector<16xi32>
        %shift_right_logical3A_240 = arith.constant 16 : i32
        %shift_right_logical3A_241 = vector.broadcast %shift_right_logical3A_240 : i32 to vector<16xi32>
        %shift_right_logical3A_242 = arith.shrui %add3A_234, %shift_right_logical3A_241 : vector<16xi32>
        %and3A_243 = arith.constant -65536 : i32
        %and3A_244 = vector.broadcast %and3A_243 : i32 to vector<16xi32>
        %and3A_245 = arith.andi %add3A_239, %and3A_244 : vector<16xi32>
        %or3A_246 = arith.ori %shift_right_logical3A_242, %and3A_245 : vector<16xi32>
        %swap3A_247 = arith.index_cast %scan3A_161 : i32 to index
        %swap3A_248 = arith.constant 16 : index
        %swap3A_249 = tpu.vector_load %arg12[%swap3A_247, %swap3A_248] {strides = array<i32>} : memref<100x128xi32, #tpu.memory_space<vmem>>, vector<1x16xi32>,
        %swap3A_250 = vector.shape_cast %swap3A_249 : vector<1x16xi32> to vector<16xi32>
        %swap3A_251 = vector.shape_cast %or3A_246 : vector<16xi32> to vector<1x16xi32>
        tpu.vector_store %arg12[%swap3A_247, %swap3A_248], %swap3A_251 {strides = array<i32>} : memref<100x128xi32, #tpu.memory_space<vmem>>, vector<1x16xi32>,
        %get3A_252 = arith.index_cast %add3A_165 : i32 to index
        %get3A_253 = arith.constant 32 : index
        %get3A_254 = tpu.vector_load %arg10[%get3A_252, %get3A_253] {strides = array<i32>} : memref<200x64xi32, #tpu.memory_space<vmem>>, vector<1x16xi32>,
        %get3A_255 = vector.shape_cast %get3A_254 : vector<1x16xi32> to vector<16xi32>
        %get3A_256 = arith.index_cast %add3A_165 : i32 to index
        %get3A_257 = arith.constant 32 : index
        %get3A_258 = tpu.vector_load %arg11[%get3A_256, %get3A_257] {strides = array<i32>} : memref<200x64xi32, #tpu.memory_space<vmem>>, vector<1x16xi32>,
        %get3A_259 = vector.shape_cast %get3A_258 : vector<1x16xi32> to vector<16xi32>
        %shift_left3A_260 = arith.constant 16 : i32
        %shift_left3A_261 = vector.broadcast %shift_left3A_260 : i32 to vector<16xi32>
        %shift_left3A_262 = arith.shli %get3A_255, %shift_left3A_261 : vector<16xi32>
        %bitcast_convert_type3A_263 = tpu.bitcast %shift_left3A_262 : vector<16xi32> -> vector<16xf32>
        %and3A_264 = arith.constant -65536 : i32
        %and3A_265 = vector.broadcast %and3A_264 : i32 to vector<16xi32>
        %and3A_266 = arith.andi %get3A_255, %and3A_265 : vector<16xi32>
        %bitcast_convert_type3A_267 = tpu.bitcast %and3A_266 : vector<16xi32> -> vector<16xf32>
        %shift_left3A_268 = arith.constant 16 : i32
        %shift_left3A_269 = vector.broadcast %shift_left3A_268 : i32 to vector<16xi32>
        %shift_left3A_270 = arith.shli %get3A_259, %shift_left3A_269 : vector<16xi32>
        %bitcast_convert_type3A_271 = tpu.bitcast %shift_left3A_270 : vector<16xi32> -> vector<16xf32>
        %and3A_272 = arith.constant -65536 : i32
        %and3A_273 = vector.broadcast %and3A_272 : i32 to vector<16xi32>
        %and3A_274 = arith.andi %get3A_259, %and3A_273 : vector<16xi32>
        %bitcast_convert_type3A_275 = tpu.bitcast %and3A_274 : vector<16xi32> -> vector<16xf32>
        %mul3A_276 = arith.mulf %bitcast_convert_type3A_263, %bitcast_convert_type3A_271 : vector<16xf32>
        %bitcast_convert_type3A_277 = tpu.bitcast %mul3A_276 : vector<16xf32> -> vector<16xi32>
        %add3A_278 = arith.constant 32768 : i32
        %add3A_279 = vector.broadcast %add3A_278 : i32 to vector<16xi32>
        %add3A_280 = arith.addi %bitcast_convert_type3A_277, %add3A_279 : vector<16xi32>
        %mul3A_281 = arith.mulf %bitcast_convert_type3A_267, %bitcast_convert_type3A_275 : vector<16xf32>
        %bitcast_convert_type3A_282 = tpu.bitcast %mul3A_281 : vector<16xf32> -> vector<16xi32>
        %add3A_283 = arith.constant 32768 : i32
        %add3A_284 = vector.broadcast %add3A_283 : i32 to vector<16xi32>
        %add3A_285 = arith.addi %bitcast_convert_type3A_282, %add3A_284 : vector<16xi32>
        %shift_right_logical3A_286 = arith.constant 16 : i32
        %shift_right_logical3A_287 = vector.broadcast %shift_right_logical3A_286 : i32 to vector<16xi32>
        %shift_right_logical3A_288 = arith.shrui %add3A_280, %shift_right_logical3A_287 : vector<16xi32>
        %and3A_289 = arith.constant -65536 : i32
        %and3A_290 = vector.broadcast %and3A_289 : i32 to vector<16xi32>
        %and3A_291 = arith.andi %add3A_285, %and3A_290 : vector<16xi32>
        %or3A_292 = arith.ori %shift_right_logical3A_288, %and3A_291 : vector<16xi32>
        %swap3A_293 = arith.index_cast %scan3A_161 : i32 to index
        %swap3A_294 = arith.constant 32 : index
        %swap3A_295 = tpu.vector_load %arg12[%swap3A_293, %swap3A_294] {strides = array<i32>} : memref<100x128xi32, #tpu.memory_space<vmem>>, vector<1x16xi32>,
        %swap3A_296 = vector.shape_cast %swap3A_295 : vector<1x16xi32> to vector<16xi32>
        %swap3A_297 = vector.shape_cast %or3A_292 : vector<16xi32> to vector<1x16xi32>
        tpu.vector_store %arg12[%swap3A_293, %swap3A_294], %swap3A_297 {strides = array<i32>} : memref<100x128xi32, #tpu.memory_space<vmem>>, vector<1x16xi32>,
        %get3A_298 = arith.index_cast %add3A_165 : i32 to index
        %get3A_299 = arith.constant 48 : index
        %get3A_300 = tpu.vector_load %arg10[%get3A_298, %get3A_299] {strides = array<i32>} : memref<200x64xi32, #tpu.memory_space<vmem>>, vector<1x16xi32>,
        %get3A_301 = vector.shape_cast %get3A_300 : vector<1x16xi32> to vector<16xi32>
        %get3A_302 = arith.index_cast %add3A_165 : i32 to index
        %get3A_303 = arith.constant 48 : index
        %get3A_304 = tpu.vector_load %arg11[%get3A_302, %get3A_303] {strides = array<i32>} : memref<200x64xi32, #tpu.memory_space<vmem>>, vector<1x16xi32>,
        %get3A_305 = vector.shape_cast %get3A_304 : vector<1x16xi32> to vector<16xi32>
        %shift_left3A_306 = arith.constant 16 : i32
        %shift_left3A_307 = vector.broadcast %shift_left3A_306 : i32 to vector<16xi32>
        %shift_left3A_308 = arith.shli %get3A_301, %shift_left3A_307 : vector<16xi32>
        %bitcast_convert_type3A_309 = tpu.bitcast %shift_left3A_308 : vector<16xi32> -> vector<16xf32>
        %and3A_310 = arith.constant -65536 : i32
        %and3A_311 = vector.broadcast %and3A_310 : i32 to vector<16xi32>
        %and3A_312 = arith.andi %get3A_301, %and3A_311 : vector<16xi32>
        %bitcast_convert_type3A_313 = tpu.bitcast %and3A_312 : vector<16xi32> -> vector<16xf32>
        %shift_left3A_314 = arith.constant 16 : i32
        %shift_left3A_315 = vector.broadcast %shift_left3A_314 : i32 to vector<16xi32>
        %shift_left3A_316 = arith.shli %get3A_305, %shift_left3A_315 : vector<16xi32>
        %bitcast_convert_type3A_317 = tpu.bitcast %shift_left3A_316 : vector<16xi32> -> vector<16xf32>
        %and3A_318 = arith.constant -65536 : i32
        %and3A_319 = vector.broadcast %and3A_318 : i32 to vector<16xi32>
        %and3A_320 = arith.andi %get3A_305, %and3A_319 : vector<16xi32>
        %bitcast_convert_type3A_321 = tpu.bitcast %and3A_320 : vector<16xi32> -> vector<16xf32>
        %mul3A_322 = arith.mulf %bitcast_convert_type3A_309, %bitcast_convert_type3A_317 : vector<16xf32>
        %bitcast_convert_type3A_323 = tpu.bitcast %mul3A_322 : vector<16xf32> -> vector<16xi32>
        %add3A_324 = arith.constant 32768 : i32
        %add3A_325 = vector.broadcast %add3A_324 : i32 to vector<16xi32>
        %add3A_326 = arith.addi %bitcast_convert_type3A_323, %add3A_325 : vector<16xi32>
        %mul3A_327 = arith.mulf %bitcast_convert_type3A_313, %bitcast_convert_type3A_321 : vector<16xf32>
        %bitcast_convert_type3A_328 = tpu.bitcast %mul3A_327 : vector<16xf32> -> vector<16xi32>
        %add3A_329 = arith.constant 32768 : i32
        %add3A_330 = vector.broadcast %add3A_329 : i32 to vector<16xi32>
        %add3A_331 = arith.addi %bitcast_convert_type3A_328, %add3A_330 : vector<16xi32>
        %shift_right_logical3A_332 = arith.constant 16 : i32
        %shift_right_logical3A_333 = vector.broadcast %shift_right_logical3A_332 : i32 to vector<16xi32>
        %shift_right_logical3A_334 = arith.shrui %add3A_326, %shift_right_logical3A_333 : vector<16xi32>
        %and3A_335 = arith.constant -65536 : i32
        %and3A_336 = vector.broadcast %and3A_335 : i32 to vector<16xi32>
        %and3A_337 = arith.andi %add3A_331, %and3A_336 : vector<16xi32>
        %or3A_338 = arith.ori %shift_right_logical3A_334, %and3A_337 : vector<16xi32>
        %swap3A_339 = arith.index_cast %scan3A_161 : i32 to index
        %swap3A_340 = arith.constant 48 : index
        %swap3A_341 = tpu.vector_load %arg12[%swap3A_339, %swap3A_340] {strides = array<i32>} : memref<100x128xi32, #tpu.memory_space<vmem>>, vector<1x16xi32>,
        %swap3A_342 = vector.shape_cast %swap3A_341 : vector<1x16xi32> to vector<16xi32>
        %swap3A_343 = vector.shape_cast %or3A_338 : vector<16xi32> to vector<1x16xi32>
        tpu.vector_store %arg12[%swap3A_339, %swap3A_340], %swap3A_343 {strides = array<i32>} : memref<100x128xi32, #tpu.memory_space<vmem>>, vector<1x16xi32>,
        %mul3A_344 = arith.constant 2 : i32
        %mul3A_345 = arith.muli %mul3A_344, %scan3A_161 : i32
        %add3A_346 = arith.constant 1 : i32
        %add3A_347 = arith.addi %mul3A_345, %add3A_346 : i32
        %get3A_348 = arith.index_cast %add3A_347 : i32 to index
        %get3A_349 = arith.constant 0 : index
        %get3A_350 = tpu.vector_load %arg10[%get3A_348, %get3A_349] {strides = array<i32>} : memref<200x64xi32, #tpu.memory_space<vmem>>, vector<1x16xi32>,
        %get3A_351 = vector.shape_cast %get3A_350 : vector<1x16xi32> to vector<16xi32>
        %get3A_352 = arith.index_cast %add3A_347 : i32 to index
        %get3A_353 = arith.constant 0 : index
        %get3A_354 = tpu.vector_load %arg11[%get3A_352, %get3A_353] {strides = array<i32>} : memref<200x64xi32, #tpu.memory_space<vmem>>, vector<1x16xi32>,
        %get3A_355 = vector.shape_cast %get3A_354 : vector<1x16xi32> to vector<16xi32>
        %shift_left3A_356 = arith.constant 16 : i32
        %shift_left3A_357 = vector.broadcast %shift_left3A_356 : i32 to vector<16xi32>
        %shift_left3A_358 = arith.shli %get3A_351, %shift_left3A_357 : vector<16xi32>
        %bitcast_convert_type3A_359 = tpu.bitcast %shift_left3A_358 : vector<16xi32> -> vector<16xf32>
        %and3A_360 = arith.constant -65536 : i32
        %and3A_361 = vector.broadcast %and3A_360 : i32 to vector<16xi32>
        %and3A_362 = arith.andi %get3A_351, %and3A_361 : vector<16xi32>
        %bitcast_convert_type3A_363 = tpu.bitcast %and3A_362 : vector<16xi32> -> vector<16xf32>
        %shift_left3A_364 = arith.constant 16 : i32
        %shift_left3A_365 = vector.broadcast %shift_left3A_364 : i32 to vector<16xi32>
        %shift_left3A_366 = arith.shli %get3A_355, %shift_left3A_365 : vector<16xi32>
        %bitcast_convert_type3A_367 = tpu.bitcast %shift_left3A_366 : vector<16xi32> -> vector<16xf32>
        %and3A_368 = arith.constant -65536 : i32
        %and3A_369 = vector.broadcast %and3A_368 : i32 to vector<16xi32>
        %and3A_370 = arith.andi %get3A_355, %and3A_369 : vector<16xi32>
        %bitcast_convert_type3A_371 = tpu.bitcast %and3A_370 : vector<16xi32> -> vector<16xf32>
        %mul3A_372 = arith.mulf %bitcast_convert_type3A_359, %bitcast_convert_type3A_367 : vector<16xf32>
        %bitcast_convert_type3A_373 = tpu.bitcast %mul3A_372 : vector<16xf32> -> vector<16xi32>
        %add3A_374 = arith.constant 32768 : i32
        %add3A_375 = vector.broadcast %add3A_374 : i32 to vector<16xi32>
        %add3A_376 = arith.addi %bitcast_convert_type3A_373, %add3A_375 : vector<16xi32>
        %mul3A_377 = arith.mulf %bitcast_convert_type3A_363, %bitcast_convert_type3A_371 : vector<16xf32>
        %bitcast_convert_type3A_378 = tpu.bitcast %mul3A_377 : vector<16xf32> -> vector<16xi32>
        %add3A_379 = arith.constant 32768 : i32
        %add3A_380 = vector.broadcast %add3A_379 : i32 to vector<16xi32>
        %add3A_381 = arith.addi %bitcast_convert_type3A_378, %add3A_380 : vector<16xi32>
        %shift_right_logical3A_382 = arith.constant 16 : i32
        %shift_right_logical3A_383 = vector.broadcast %shift_right_logical3A_382 : i32 to vector<16xi32>
        %shift_right_logical3A_384 = arith.shrui %add3A_376, %shift_right_logical3A_383 : vector<16xi32>
        %and3A_385 = arith.constant -65536 : i32
        %and3A_386 = vector.broadcast %and3A_385 : i32 to vector<16xi32>
        %and3A_387 = arith.andi %add3A_381, %and3A_386 : vector<16xi32>
        %or3A_388 = arith.ori %shift_right_logical3A_384, %and3A_387 : vector<16xi32>
        %swap3A_389 = arith.index_cast %scan3A_161 : i32 to index
        %swap3A_390 = arith.constant 64 : index
        %swap3A_391 = tpu.vector_load %arg12[%swap3A_389, %swap3A_390] {strides = array<i32>} : memref<100x128xi32, #tpu.memory_space<vmem>>, vector<1x16xi32>,
        %swap3A_392 = vector.shape_cast %swap3A_391 : vector<1x16xi32> to vector<16xi32>
        %swap3A_393 = vector.shape_cast %or3A_388 : vector<16xi32> to vector<1x16xi32>
        tpu.vector_store %arg12[%swap3A_389, %swap3A_390], %swap3A_393 {strides = array<i32>} : memref<100x128xi32, #tpu.memory_space<vmem>>, vector<1x16xi32>,
        %get3A_394 = arith.index_cast %add3A_347 : i32 to index
        %get3A_395 = arith.constant 16 : index
        %get3A_396 = tpu.vector_load %arg10[%get3A_394, %get3A_395] {strides = array<i32>} : memref<200x64xi32, #tpu.memory_space<vmem>>, vector<1x16xi32>,
        %get3A_397 = vector.shape_cast %get3A_396 : vector<1x16xi32> to vector<16xi32>
        %get3A_398 = arith.index_cast %add3A_347 : i32 to index
        %get3A_399 = arith.constant 16 : index
        %get3A_400 = tpu.vector_load %arg11[%get3A_398, %get3A_399] {strides = array<i32>} : memref<200x64xi32, #tpu.memory_space<vmem>>, vector<1x16xi32>,
        %get3A_401 = vector.shape_cast %get3A_400 : vector<1x16xi32> to vector<16xi32>
        %shift_left3A_402 = arith.constant 16 : i32
        %shift_left3A_403 = vector.broadcast %shift_left3A_402 : i32 to vector<16xi32>
        %shift_left3A_404 = arith.shli %get3A_397, %shift_left3A_403 : vector<16xi32>
        %bitcast_convert_type3A_405 = tpu.bitcast %shift_left3A_404 : vector<16xi32> -> vector<16xf32>
        %and3A_406 = arith.constant -65536 : i32
        %and3A_407 = vector.broadcast %and3A_406 : i32 to vector<16xi32>
        %and3A_408 = arith.andi %get3A_397, %and3A_407 : vector<16xi32>
        %bitcast_convert_type3A_409 = tpu.bitcast %and3A_408 : vector<16xi32> -> vector<16xf32>
        %shift_left3A_410 = arith.constant 16 : i32
        %shift_left3A_411 = vector.broadcast %shift_left3A_410 : i32 to vector<16xi32>
        %shift_left3A_412 = arith.shli %get3A_401, %shift_left3A_411 : vector<16xi32>
        %bitcast_convert_type3A_413 = tpu.bitcast %shift_left3A_412 : vector<16xi32> -> vector<16xf32>
        %and3A_414 = arith.constant -65536 : i32
        %and3A_415 = vector.broadcast %and3A_414 : i32 to vector<16xi32>
        %and3A_416 = arith.andi %get3A_401, %and3A_415 : vector<16xi32>
        %bitcast_convert_type3A_417 = tpu.bitcast %and3A_416 : vector<16xi32> -> vector<16xf32>
        %mul3A_418 = arith.mulf %bitcast_convert_type3A_405, %bitcast_convert_type3A_413 : vector<16xf32>
        %bitcast_convert_type3A_419 = tpu.bitcast %mul3A_418 : vector<16xf32> -> vector<16xi32>
        %add3A_420 = arith.constant 32768 : i32
        %add3A_421 = vector.broadcast %add3A_420 : i32 to vector<16xi32>
        %add3A_422 = arith.addi %bitcast_convert_type3A_419, %add3A_421 : vector<16xi32>
        %mul3A_423 = arith.mulf %bitcast_convert_type3A_409, %bitcast_convert_type3A_417 : vector<16xf32>
        %bitcast_convert_type3A_424 = tpu.bitcast %mul3A_423 : vector<16xf32> -> vector<16xi32>
        %add3A_425 = arith.constant 32768 : i32
        %add3A_426 = vector.broadcast %add3A_425 : i32 to vector<16xi32>
        %add3A_427 = arith.addi %bitcast_convert_type3A_424, %add3A_426 : vector<16xi32>
        %shift_right_logical3A_428 = arith.constant 16 : i32
        %shift_right_logical3A_429 = vector.broadcast %shift_right_logical3A_428 : i32 to vector<16xi32>
        %shift_right_logical3A_430 = arith.shrui %add3A_422, %shift_right_logical3A_429 : vector<16xi32>
        %and3A_431 = arith.constant -65536 : i32
        %and3A_432 = vector.broadcast %and3A_431 : i32 to vector<16xi32>
        %and3A_433 = arith.andi %add3A_427, %and3A_432 : vector<16xi32>
        %or3A_434 = arith.ori %shift_right_logical3A_430, %and3A_433 : vector<16xi32>
        %swap3A_435 = arith.index_cast %scan3A_161 : i32 to index
        %swap3A_436 = arith.constant 80 : index
        %swap3A_437 = tpu.vector_load %arg12[%swap3A_435, %swap3A_436] {strides = array<i32>} : memref<100x128xi32, #tpu.memory_space<vmem>>, vector<1x16xi32>,
        %swap3A_438 = vector.shape_cast %swap3A_437 : vector<1x16xi32> to vector<16xi32>
        %swap3A_439 = vector.shape_cast %or3A_434 : vector<16xi32> to vector<1x16xi32>
        tpu.vector_store %arg12[%swap3A_435, %swap3A_436], %swap3A_439 {strides = array<i32>} : memref<100x128xi32, #tpu.memory_space<vmem>>, vector<1x16xi32>,
        %get3A_440 = arith.index_cast %add3A_347 : i32 to index
        %get3A_441 = arith.constant 32 : index
        %get3A_442 = tpu.vector_load %arg10[%get3A_440, %get3A_441] {strides = array<i32>} : memref<200x64xi32, #tpu.memory_space<vmem>>, vector<1x16xi32>,
        %get3A_443 = vector.shape_cast %get3A_442 : vector<1x16xi32> to vector<16xi32>
        %get3A_444 = arith.index_cast %add3A_347 : i32 to index
        %get3A_445 = arith.constant 32 : index
        %get3A_446 = tpu.vector_load %arg11[%get3A_444, %get3A_445] {strides = array<i32>} : memref<200x64xi32, #tpu.memory_space<vmem>>, vector<1x16xi32>,
        %get3A_447 = vector.shape_cast %get3A_446 : vector<1x16xi32> to vector<16xi32>
        %shift_left3A_448 = arith.constant 16 : i32
        %shift_left3A_449 = vector.broadcast %shift_left3A_448 : i32 to vector<16xi32>
        %shift_left3A_450 = arith.shli %get3A_443, %shift_left3A_449 : vector<16xi32>
        %bitcast_convert_type3A_451 = tpu.bitcast %shift_left3A_450 : vector<16xi32> -> vector<16xf32>
        %and3A_452 = arith.constant -65536 : i32
        %and3A_453 = vector.broadcast %and3A_452 : i32 to vector<16xi32>
        %and3A_454 = arith.andi %get3A_443, %and3A_453 : vector<16xi32>
        %bitcast_convert_type3A_455 = tpu.bitcast %and3A_454 : vector<16xi32> -> vector<16xf32>
        %shift_left3A_456 = arith.constant 16 : i32
        %shift_left3A_457 = vector.broadcast %shift_left3A_456 : i32 to vector<16xi32>
        %shift_left3A_458 = arith.shli %get3A_447, %shift_left3A_457 : vector<16xi32>
        %bitcast_convert_type3A_459 = tpu.bitcast %shift_left3A_458 : vector<16xi32> -> vector<16xf32>
        %and3A_460 = arith.constant -65536 : i32
        %and3A_461 = vector.broadcast %and3A_460 : i32 to vector<16xi32>
        %and3A_462 = arith.andi %get3A_447, %and3A_461 : vector<16xi32>
        %bitcast_convert_type3A_463 = tpu.bitcast %and3A_462 : vector<16xi32> -> vector<16xf32>
        %mul3A_464 = arith.mulf %bitcast_convert_type3A_451, %bitcast_convert_type3A_459 : vector<16xf32>
        %bitcast_convert_type3A_465 = tpu.bitcast %mul3A_464 : vector<16xf32> -> vector<16xi32>
        %add3A_466 = arith.constant 32768 : i32
        %add3A_467 = vector.broadcast %add3A_466 : i32 to vector<16xi32>
        %add3A_468 = arith.addi %bitcast_convert_type3A_465, %add3A_467 : vector<16xi32>
        %mul3A_469 = arith.mulf %bitcast_convert_type3A_455, %bitcast_convert_type3A_463 : vector<16xf32>
        %bitcast_convert_type3A_470 = tpu.bitcast %mul3A_469 : vector<16xf32> -> vector<16xi32>
        %add3A_471 = arith.constant 32768 : i32
        %add3A_472 = vector.broadcast %add3A_471 : i32 to vector<16xi32>
        %add3A_473 = arith.addi %bitcast_convert_type3A_470, %add3A_472 : vector<16xi32>
        %shift_right_logical3A_474 = arith.constant 16 : i32
        %shift_right_logical3A_475 = vector.broadcast %shift_right_logical3A_474 : i32 to vector<16xi32>
        %shift_right_logical3A_476 = arith.shrui %add3A_468, %shift_right_logical3A_475 : vector<16xi32>
        %and3A_477 = arith.constant -65536 : i32
        %and3A_478 = vector.broadcast %and3A_477 : i32 to vector<16xi32>
        %and3A_479 = arith.andi %add3A_473, %and3A_478 : vector<16xi32>
        %or3A_480 = arith.ori %shift_right_logical3A_476, %and3A_479 : vector<16xi32>
        %swap3A_481 = arith.index_cast %scan3A_161 : i32 to index
        %swap3A_482 = arith.constant 96 : index
        %swap3A_483 = tpu.vector_load %arg12[%swap3A_481, %swap3A_482] {strides = array<i32>} : memref<100x128xi32, #tpu.memory_space<vmem>>, vector<1x16xi32>,
        %swap3A_484 = vector.shape_cast %swap3A_483 : vector<1x16xi32> to vector<16xi32>
        %swap3A_485 = vector.shape_cast %or3A_480 : vector<16xi32> to vector<1x16xi32>
        tpu.vector_store %arg12[%swap3A_481, %swap3A_482], %swap3A_485 {strides = array<i32>} : memref<100x128xi32, #tpu.memory_space<vmem>>, vector<1x16xi32>,
        %get3A_486 = arith.index_cast %add3A_347 : i32 to index
        %get3A_487 = arith.constant 48 : index
        %get3A_488 = tpu.vector_load %arg10[%get3A_486, %get3A_487] {strides = array<i32>} : memref<200x64xi32, #tpu.memory_space<vmem>>, vector<1x16xi32>,
        %get3A_489 = vector.shape_cast %get3A_488 : vector<1x16xi32> to vector<16xi32>
        %get3A_490 = arith.index_cast %add3A_347 : i32 to index
        %get3A_491 = arith.constant 48 : index
        %get3A_492 = tpu.vector_load %arg11[%get3A_490, %get3A_491] {strides = array<i32>} : memref<200x64xi32, #tpu.memory_space<vmem>>, vector<1x16xi32>,
        %get3A_493 = vector.shape_cast %get3A_492 : vector<1x16xi32> to vector<16xi32>
        %shift_left3A_494 = arith.constant 16 : i32
        %shift_left3A_495 = vector.broadcast %shift_left3A_494 : i32 to vector<16xi32>
        %shift_left3A_496 = arith.shli %get3A_489, %shift_left3A_495 : vector<16xi32>
        %bitcast_convert_type3A_497 = tpu.bitcast %shift_left3A_496 : vector<16xi32> -> vector<16xf32>
        %and3A_498 = arith.constant -65536 : i32
        %and3A_499 = vector.broadcast %and3A_498 : i32 to vector<16xi32>
        %and3A_500 = arith.andi %get3A_489, %and3A_499 : vector<16xi32>
        %bitcast_convert_type3A_501 = tpu.bitcast %and3A_500 : vector<16xi32> -> vector<16xf32>
        %shift_left3A_502 = arith.constant 16 : i32
        %shift_left3A_503 = vector.broadcast %shift_left3A_502 : i32 to vector<16xi32>
        %shift_left3A_504 = arith.shli %get3A_493, %shift_left3A_503 : vector<16xi32>
        %bitcast_convert_type3A_505 = tpu.bitcast %shift_left3A_504 : vector<16xi32> -> vector<16xf32>
        %and3A_506 = arith.constant -65536 : i32
        %and3A_507 = vector.broadcast %and3A_506 : i32 to vector<16xi32>
        %and3A_508 = arith.andi %get3A_493, %and3A_507 : vector<16xi32>
        %bitcast_convert_type3A_509 = tpu.bitcast %and3A_508 : vector<16xi32> -> vector<16xf32>
        %mul3A_510 = arith.mulf %bitcast_convert_type3A_497, %bitcast_convert_type3A_505 : vector<16xf32>
        %bitcast_convert_type3A_511 = tpu.bitcast %mul3A_510 : vector<16xf32> -> vector<16xi32>
        %add3A_512 = arith.constant 32768 : i32
        %add3A_513 = vector.broadcast %add3A_512 : i32 to vector<16xi32>
        %add3A_514 = arith.addi %bitcast_convert_type3A_511, %add3A_513 : vector<16xi32>
        %mul3A_515 = arith.mulf %bitcast_convert_type3A_501, %bitcast_convert_type3A_509 : vector<16xf32>
        %bitcast_convert_type3A_516 = tpu.bitcast %mul3A_515 : vector<16xf32> -> vector<16xi32>
        %add3A_517 = arith.constant 32768 : i32
        %add3A_518 = vector.broadcast %add3A_517 : i32 to vector<16xi32>
        %add3A_519 = arith.addi %bitcast_convert_type3A_516, %add3A_518 : vector<16xi32>
        %shift_right_logical3A_520 = arith.constant 16 : i32
        %shift_right_logical3A_521 = vector.broadcast %shift_right_logical3A_520 : i32 to vector<16xi32>
        %shift_right_logical3A_522 = arith.shrui %add3A_514, %shift_right_logical3A_521 : vector<16xi32>
        %and3A_523 = arith.constant -65536 : i32
        %and3A_524 = vector.broadcast %and3A_523 : i32 to vector<16xi32>
        %and3A_525 = arith.andi %add3A_519, %and3A_524 : vector<16xi32>
        %or3A_526 = arith.ori %shift_right_logical3A_522, %and3A_525 : vector<16xi32>
        %swap3A_527 = arith.index_cast %scan3A_161 : i32 to index
        %swap3A_528 = arith.constant 112 : index
        %swap3A_529 = tpu.vector_load %arg12[%swap3A_527, %swap3A_528] {strides = array<i32>} : memref<100x128xi32, #tpu.memory_space<vmem>>, vector<1x16xi32>,
        %swap3A_530 = vector.shape_cast %swap3A_529 : vector<1x16xi32> to vector<16xi32>
        %swap3A_531 = vector.shape_cast %or3A_526 : vector<16xi32> to vector<1x16xi32>
        tpu.vector_store %arg12[%swap3A_527, %swap3A_528], %swap3A_531 {strides = array<i32>} : memref<100x128xi32, #tpu.memory_space<vmem>>, vector<1x16xi32>,
      }
      %scan3A_78 = arith.constant 100 : i32
      %mul3A_79 = arith.constant 200 : i32
      %mul3A_80 = arith.muli %mul3A_47, %mul3A_79 : i32
      %add3A_81 = arith.addi %mul3A_2, %mul3A_80 : i32
      %jit3A = arith.constant 2 : i32
      %div3A = arith.divsi %add3A_81, %jit3A : i32
      %sign3A = arith.constant 0 : i32
      %sign3A_82 = arith.cmpi sgt, %add3A_81, %sign3A : i32
      %sign3A_83 = arith.extui %sign3A_82 : i1 to i32
      %sign3A_84 = arith.constant 0 : i32
      %sign3A_85 = arith.cmpi slt, %add3A_81, %sign3A_84 : i32
      %sign3A_86 = arith.extui %sign3A_85 : i1 to i32
      %sign3A_87 = arith.subi %sign3A_83, %sign3A_86 : i32
      %sign3A_88 = arith.constant 0 : i32
      %sign3A_89 = arith.cmpi sgt, %jit3A, %sign3A_88 : i32
      %sign3A_90 = arith.extui %sign3A_89 : i1 to i32
      %sign3A_91 = arith.constant 0 : i32
      %sign3A_92 = arith.cmpi slt, %jit3A, %sign3A_91 : i32
      %sign3A_93 = arith.extui %sign3A_92 : i1 to i32
      %sign3A_94 = arith.subi %sign3A_90, %sign3A_93 : i32
      %ne3A = arith.cmpi ne, %sign3A_87, %sign3A_94 : i32
      %rem3A = arith.remsi %add3A_81, %jit3A : i32
      %ne3A_95 = arith.constant 0 : i32
      %ne3A_96 = arith.cmpi ne, %rem3A, %ne3A_95 : i32
      %and3A = arith.andi %ne3A, %ne3A_96 : i1
      %sub3A = arith.constant 1 : i32
      %sub3A_97 = arith.subi %div3A, %sub3A : i32
      %select_n3A = arith.select %and3A, %sub3A_97, %div3A : i32
      %dma_start3A_98 = arith.constant 0 : i32
      %dma_start3A_99 = tpu.memref_slice %arg5[%select_n3A, %dma_start3A_98] : memref<160000x128xi32, #tpu.memory_space<hbm>> -> memref<100x128xi32, #tpu.memory_space<hbm>>
      %dma_start3A_100 = arith.constant 0 : i32
      %dma_start3A_101 = tpu.memref_slice %arg5[%select_n3A, %dma_start3A_100] : memref<160000x128xi32, #tpu.memory_space<hbm>> -> memref<100x128xi32, #tpu.memory_space<hbm>>
      tpu.enqueue_dma source(%arg12 : memref<100x128xi32, #tpu.memory_space<vmem>>) target(%dma_start3A_101 : memref<100x128xi32, #tpu.memory_space<hbm>>) target_semaphore(%arg21 : memref<!tpu.dma_semaphore, #tpu.memory_space<semaphore_mem>>)
      %lt3A_102 = arith.constant 24 : i32
      %lt3A_103 = arith.cmpi slt, %scan3A_45, %lt3A_102 : i32
      %convert_element_type3A_104 = arith.extui %lt3A_103 : i1 to i32
      %cond3A_105 = arith.constant 0 : i32
      %cond3A_106 = arith.cmpi ne, %convert_element_type3A_104, %cond3A_105 : i32
      scf.if %cond3A_106 {
        %dma_wait3A_161 = arith.constant 0 : i32
        %dma_wait3A_162 = tpu.memref_slice %arg2[%dma_wait3A_161] : memref<320000xi32, #tpu.memory_space<hbm>> -> memref<200xi32, #tpu.memory_space<hbm>>
        %dma_wait3A_163 = arith.constant 0 : i32
        %dma_wait3A_164 = tpu.memref_slice %arg2[%dma_wait3A_163] : memref<320000xi32, #tpu.memory_space<hbm>> -> memref<200xi32, #tpu.memory_space<hbm>>
        tpu.wait_dma2 semaphore(%arg17 : memref<!tpu.dma_semaphore, #tpu.memory_space<semaphore_mem>>) src(%dma_wait3A_164 : memref<200xi32, #tpu.memory_space<hbm>>) dst(%arg6 : memref<200xi32, #tpu.memory_space<vmem>>)
        %dma_wait3A_165 = arith.constant 0 : i32
        %dma_wait3A_166 = tpu.memref_slice %arg3[%dma_wait3A_165] : memref<320000xi32, #tpu.memory_space<hbm>> -> memref<200xi32, #tpu.memory_space<hbm>>
        %dma_wait3A_167 = arith.constant 0 : i32
        %dma_wait3A_168 = tpu.memref_slice %arg3[%dma_wait3A_167] : memref<320000xi32, #tpu.memory_space<hbm>> -> memref<200xi32, #tpu.memory_space<hbm>>
        tpu.wait_dma2 semaphore(%arg17 : memref<!tpu.dma_semaphore, #tpu.memory_space<semaphore_mem>>) src(%dma_wait3A_168 : memref<200xi32, #tpu.memory_space<hbm>>) dst(%arg7 : memref<200xi32, #tpu.memory_space<vmem>>)
        %dma_start3A_169 = arith.constant 0 : i32
        %dma_start3A_170 = arith.constant 0 : i32
        %dma_start3A_171 = tpu.memref_slice %arg16[%dma_start3A_169, %dma_start3A_170] : memref<10000x64xi32, #tpu.memory_space<vmem_shared>> -> memref<10000x64xi32, #tpu.memory_space<vmem_shared>>
        tpu.enqueue_indirect_dma source(%dma_start3A_171 : memref<10000x64xi32, #tpu.memory_space<vmem_shared>>) target(%arg10 : memref<200x64xi32, #tpu.memory_space<vmem>>) offsets(%arg6 : memref<200xi32, #tpu.memory_space<vmem>>) semaphore(%arg19 : memref<!tpu.dma_semaphore, #tpu.memory_space<semaphore_mem>>)
        %dma_start3A_172 = arith.constant 0 : i32
        %dma_start3A_173 = arith.constant 0 : i32
        %dma_start3A_174 = tpu.memref_slice %arg16[%dma_start3A_172, %dma_start3A_173] : memref<10000x64xi32, #tpu.memory_space<vmem_shared>> -> memref<10000x64xi32, #tpu.memory_space<vmem_shared>>
        tpu.enqueue_indirect_dma source(%dma_start3A_174 : memref<10000x64xi32, #tpu.memory_space<vmem_shared>>) target(%arg11 : memref<200x64xi32, #tpu.memory_space<vmem>>) offsets(%arg7 : memref<200xi32, #tpu.memory_space<vmem>>) semaphore(%arg19 : memref<!tpu.dma_semaphore, #tpu.memory_space<semaphore_mem>>)
      } else {
      }
      %dma_wait3A_107 = arith.constant 0 : i32
      %dma_wait3A_108 = arith.constant 0 : i32
      %dma_wait3A_109 = tpu.memref_slice %arg16[%dma_wait3A_107, %dma_wait3A_108] : memref<10000x64xi32, #tpu.memory_space<vmem_shared>> -> memref<10000x64xi32, #tpu.memory_space<vmem_shared>>
      tpu.wait_indirect_dma semaphore(%arg20 : memref<!tpu.dma_semaphore, #tpu.memory_space<semaphore_mem>>) src(%dma_wait3A_109 : memref<10000x64xi32, #tpu.memory_space<vmem_shared>>) dst(%arg13 : memref<200x64xi32, #tpu.memory_space<vmem>>)
      %dma_wait3A_110 = arith.constant 0 : i32
      %dma_wait3A_111 = arith.constant 0 : i32
      %dma_wait3A_112 = tpu.memref_slice %arg16[%dma_wait3A_110, %dma_wait3A_111] : memref<10000x64xi32, #tpu.memory_space<vmem_shared>> -> memref<10000x64xi32, #tpu.memory_space<vmem_shared>>
      tpu.wait_indirect_dma semaphore(%arg20 : memref<!tpu.dma_semaphore, #tpu.memory_space<semaphore_mem>>) src(%dma_wait3A_112 : memref<10000x64xi32, #tpu.memory_space<vmem_shared>>) dst(%arg14 : memref<200x64xi32, #tpu.memory_space<vmem>>)
      %lt3A_113 = arith.constant 24 : i32
      %lt3A_114 = arith.cmpi slt, %scan3A_45, %lt3A_113 : i32
      %convert_element_type3A_115 = arith.extui %lt3A_114 : i1 to i32
      %cond3A_116 = arith.constant 0 : i32
      %cond3A_117 = arith.cmpi ne, %convert_element_type3A_115, %cond3A_116 : i32
      scf.if %cond3A_117 {
        %add3A_161 = arith.constant 3 : i32
        %add3A_162 = arith.addi %mul3A_47, %add3A_161 : i32
        %mul3A_163 = arith.constant 200 : i32
        %mul3A_164 = arith.muli %add3A_162, %mul3A_163 : i32
        %add3A_165 = arith.addi %mul3A_2, %mul3A_164 : i32
        %dma_start3A_166 = tpu.memref_slice %arg2[%add3A_165] : memref<320000xi32, #tpu.memory_space<hbm>> -> memref<200xi32, #tpu.memory_space<hbm>>
        %dma_start3A_167 = tpu.memref_slice %arg2[%add3A_165] : memref<320000xi32, #tpu.memory_space<hbm>> -> memref<200xi32, #tpu.memory_space<hbm>>
        tpu.enqueue_dma source(%dma_start3A_167 : memref<200xi32, #tpu.memory_space<hbm>>) target(%arg8 : memref<200xi32, #tpu.memory_space<vmem>>) target_semaphore(%arg18 : memref<!tpu.dma_semaphore, #tpu.memory_space<semaphore_mem>>)
        %dma_start3A_168 = tpu.memref_slice %arg3[%add3A_165] : memref<320000xi32, #tpu.memory_space<hbm>> -> memref<200xi32, #tpu.memory_space<hbm>>
        %dma_start3A_169 = tpu.memref_slice %arg3[%add3A_165] : memref<320000xi32, #tpu.memory_space<hbm>> -> memref<200xi32, #tpu.memory_space<hbm>>
        tpu.enqueue_dma source(%dma_start3A_169 : memref<200xi32, #tpu.memory_space<hbm>>) target(%arg9 : memref<200xi32, #tpu.memory_space<vmem>>) target_semaphore(%arg18 : memref<!tpu.dma_semaphore, #tpu.memory_space<semaphore_mem>>)
      } else {
      }
      %gt3A_118 = arith.constant 0 : i32
      %gt3A_119 = arith.cmpi sgt, %scan3A_45, %gt3A_118 : i32
      %convert_element_type3A_120 = arith.extui %gt3A_119 : i1 to i32
      %cond3A_121 = arith.constant 0 : i32
      %cond3A_122 = arith.cmpi ne, %convert_element_type3A_120, %cond3A_121 : i32
      scf.if %cond3A_122 {
        %dma_wait3A_161 = arith.constant 0 : i32
        %dma_wait3A_162 = arith.constant 0 : i32
        %dma_wait3A_163 = tpu.memref_slice %arg5[%dma_wait3A_161, %dma_wait3A_162] : memref<160000x128xi32, #tpu.memory_space<hbm>> -> memref<100x128xi32, #tpu.memory_space<hbm>>
        %dma_wait3A_164 = arith.constant 0 : i32
        %dma_wait3A_165 = arith.constant 0 : i32
        %dma_wait3A_166 = tpu.memref_slice %arg5[%dma_wait3A_164, %dma_wait3A_165] : memref<160000x128xi32, #tpu.memory_space<hbm>> -> memref<100x128xi32, #tpu.memory_space<hbm>>
        tpu.wait_dma2 semaphore(%arg22 : memref<!tpu.dma_semaphore, #tpu.memory_space<semaphore_mem>>) src(%arg15 : memref<100x128xi32, #tpu.memory_space<vmem>>) dst(%dma_wait3A_166 : memref<100x128xi32, #tpu.memory_space<hbm>>)
      } else {
      }
      %scan3A_123 = arith.constant 0 : i32
      %scan3A_124 = arith.constant 100 : i32
      %scan3A_125 = arith.addi %scan3A_123, %scan3A_124 : i32
      %scan3A_126 = arith.constant 1 : i32
      scf.for %scan3A_161 = %scan3A_123 to %scan3A_125 step %scan3A_126  : i32 {
        %mul3A_162 = arith.constant 2 : i32
        %mul3A_163 = arith.muli %mul3A_162, %scan3A_161 : i32
        %add3A_164 = arith.constant 0 : i32
        %add3A_165 = arith.addi %mul3A_163, %add3A_164 : i32
        %get3A = arith.index_cast %add3A_165 : i32 to index
        %get3A_166 = arith.constant 0 : index
        %get3A_167 = tpu.vector_load %arg13[%get3A, %get3A_166] {strides = array<i32>} : memref<200x64xi32, #tpu.memory_space<vmem>>, vector<1x16xi32>,
        %get3A_168 = vector.shape_cast %get3A_167 : vector<1x16xi32> to vector<16xi32>
        %get3A_169 = arith.index_cast %add3A_165 : i32 to index
        %get3A_170 = arith.constant 0 : index
        %get3A_171 = tpu.vector_load %arg14[%get3A_169, %get3A_170] {strides = array<i32>} : memref<200x64xi32, #tpu.memory_space<vmem>>, vector<1x16xi32>,
        %get3A_172 = vector.shape_cast %get3A_171 : vector<1x16xi32> to vector<16xi32>
        %shift_left3A = arith.constant 16 : i32
        %shift_left3A_173 = vector.broadcast %shift_left3A : i32 to vector<16xi32>
        %shift_left3A_174 = arith.shli %get3A_168, %shift_left3A_173 : vector<16xi32>
        %bitcast_convert_type3A = tpu.bitcast %shift_left3A_174 : vector<16xi32> -> vector<16xf32>
        %and3A_175 = arith.constant -65536 : i32
        %and3A_176 = vector.broadcast %and3A_175 : i32 to vector<16xi32>
        %and3A_177 = arith.andi %get3A_168, %and3A_176 : vector<16xi32>
        %bitcast_convert_type3A_178 = tpu.bitcast %and3A_177 : vector<16xi32> -> vector<16xf32>
        %shift_left3A_179 = arith.constant 16 : i32
        %shift_left3A_180 = vector.broadcast %shift_left3A_179 : i32 to vector<16xi32>
        %shift_left3A_181 = arith.shli %get3A_172, %shift_left3A_180 : vector<16xi32>
        %bitcast_convert_type3A_182 = tpu.bitcast %shift_left3A_181 : vector<16xi32> -> vector<16xf32>
        %and3A_183 = arith.constant -65536 : i32
        %and3A_184 = vector.broadcast %and3A_183 : i32 to vector<16xi32>
        %and3A_185 = arith.andi %get3A_172, %and3A_184 : vector<16xi32>
        %bitcast_convert_type3A_186 = tpu.bitcast %and3A_185 : vector<16xi32> -> vector<16xf32>
        %mul3A_187 = arith.mulf %bitcast_convert_type3A, %bitcast_convert_type3A_182 : vector<16xf32>
        %bitcast_convert_type3A_188 = tpu.bitcast %mul3A_187 : vector<16xf32> -> vector<16xi32>
        %add3A_189 = arith.constant 32768 : i32
        %add3A_190 = vector.broadcast %add3A_189 : i32 to vector<16xi32>
        %add3A_191 = arith.addi %bitcast_convert_type3A_188, %add3A_190 : vector<16xi32>
        %mul3A_192 = arith.mulf %bitcast_convert_type3A_178, %bitcast_convert_type3A_186 : vector<16xf32>
        %bitcast_convert_type3A_193 = tpu.bitcast %mul3A_192 : vector<16xf32> -> vector<16xi32>
        %add3A_194 = arith.constant 32768 : i32
        %add3A_195 = vector.broadcast %add3A_194 : i32 to vector<16xi32>
        %add3A_196 = arith.addi %bitcast_convert_type3A_193, %add3A_195 : vector<16xi32>
        %shift_right_logical3A = arith.constant 16 : i32
        %shift_right_logical3A_197 = vector.broadcast %shift_right_logical3A : i32 to vector<16xi32>
        %shift_right_logical3A_198 = arith.shrui %add3A_191, %shift_right_logical3A_197 : vector<16xi32>
        %and3A_199 = arith.constant -65536 : i32
        %and3A_200 = vector.broadcast %and3A_199 : i32 to vector<16xi32>
        %and3A_201 = arith.andi %add3A_196, %and3A_200 : vector<16xi32>
        %or3A = arith.ori %shift_right_logical3A_198, %and3A_201 : vector<16xi32>
        %swap3A = arith.index_cast %scan3A_161 : i32 to index
        %swap3A_202 = arith.constant 0 : index
        %swap3A_203 = tpu.vector_load %arg15[%swap3A, %swap3A_202] {strides = array<i32>} : memref<100x128xi32, #tpu.memory_space<vmem>>, vector<1x16xi32>,
        %swap3A_204 = vector.shape_cast %swap3A_203 : vector<1x16xi32> to vector<16xi32>
        %swap3A_205 = vector.shape_cast %or3A : vector<16xi32> to vector<1x16xi32>
        tpu.vector_store %arg15[%swap3A, %swap3A_202], %swap3A_205 {strides = array<i32>} : memref<100x128xi32, #tpu.memory_space<vmem>>, vector<1x16xi32>,
        %get3A_206 = arith.index_cast %add3A_165 : i32 to index
        %get3A_207 = arith.constant 16 : index
        %get3A_208 = tpu.vector_load %arg13[%get3A_206, %get3A_207] {strides = array<i32>} : memref<200x64xi32, #tpu.memory_space<vmem>>, vector<1x16xi32>,
        %get3A_209 = vector.shape_cast %get3A_208 : vector<1x16xi32> to vector<16xi32>
        %get3A_210 = arith.index_cast %add3A_165 : i32 to index
        %get3A_211 = arith.constant 16 : index
        %get3A_212 = tpu.vector_load %arg14[%get3A_210, %get3A_211] {strides = array<i32>} : memref<200x64xi32, #tpu.memory_space<vmem>>, vector<1x16xi32>,
        %get3A_213 = vector.shape_cast %get3A_212 : vector<1x16xi32> to vector<16xi32>
        %shift_left3A_214 = arith.constant 16 : i32
        %shift_left3A_215 = vector.broadcast %shift_left3A_214 : i32 to vector<16xi32>
        %shift_left3A_216 = arith.shli %get3A_209, %shift_left3A_215 : vector<16xi32>
        %bitcast_convert_type3A_217 = tpu.bitcast %shift_left3A_216 : vector<16xi32> -> vector<16xf32>
        %and3A_218 = arith.constant -65536 : i32
        %and3A_219 = vector.broadcast %and3A_218 : i32 to vector<16xi32>
        %and3A_220 = arith.andi %get3A_209, %and3A_219 : vector<16xi32>
        %bitcast_convert_type3A_221 = tpu.bitcast %and3A_220 : vector<16xi32> -> vector<16xf32>
        %shift_left3A_222 = arith.constant 16 : i32
        %shift_left3A_223 = vector.broadcast %shift_left3A_222 : i32 to vector<16xi32>
        %shift_left3A_224 = arith.shli %get3A_213, %shift_left3A_223 : vector<16xi32>
        %bitcast_convert_type3A_225 = tpu.bitcast %shift_left3A_224 : vector<16xi32> -> vector<16xf32>
        %and3A_226 = arith.constant -65536 : i32
        %and3A_227 = vector.broadcast %and3A_226 : i32 to vector<16xi32>
        %and3A_228 = arith.andi %get3A_213, %and3A_227 : vector<16xi32>
        %bitcast_convert_type3A_229 = tpu.bitcast %and3A_228 : vector<16xi32> -> vector<16xf32>
        %mul3A_230 = arith.mulf %bitcast_convert_type3A_217, %bitcast_convert_type3A_225 : vector<16xf32>
        %bitcast_convert_type3A_231 = tpu.bitcast %mul3A_230 : vector<16xf32> -> vector<16xi32>
        %add3A_232 = arith.constant 32768 : i32
        %add3A_233 = vector.broadcast %add3A_232 : i32 to vector<16xi32>
        %add3A_234 = arith.addi %bitcast_convert_type3A_231, %add3A_233 : vector<16xi32>
        %mul3A_235 = arith.mulf %bitcast_convert_type3A_221, %bitcast_convert_type3A_229 : vector<16xf32>
        %bitcast_convert_type3A_236 = tpu.bitcast %mul3A_235 : vector<16xf32> -> vector<16xi32>
        %add3A_237 = arith.constant 32768 : i32
        %add3A_238 = vector.broadcast %add3A_237 : i32 to vector<16xi32>
        %add3A_239 = arith.addi %bitcast_convert_type3A_236, %add3A_238 : vector<16xi32>
        %shift_right_logical3A_240 = arith.constant 16 : i32
        %shift_right_logical3A_241 = vector.broadcast %shift_right_logical3A_240 : i32 to vector<16xi32>
        %shift_right_logical3A_242 = arith.shrui %add3A_234, %shift_right_logical3A_241 : vector<16xi32>
        %and3A_243 = arith.constant -65536 : i32
        %and3A_244 = vector.broadcast %and3A_243 : i32 to vector<16xi32>
        %and3A_245 = arith.andi %add3A_239, %and3A_244 : vector<16xi32>
        %or3A_246 = arith.ori %shift_right_logical3A_242, %and3A_245 : vector<16xi32>
        %swap3A_247 = arith.index_cast %scan3A_161 : i32 to index
        %swap3A_248 = arith.constant 16 : index
        %swap3A_249 = tpu.vector_load %arg15[%swap3A_247, %swap3A_248] {strides = array<i32>} : memref<100x128xi32, #tpu.memory_space<vmem>>, vector<1x16xi32>,
        %swap3A_250 = vector.shape_cast %swap3A_249 : vector<1x16xi32> to vector<16xi32>
        %swap3A_251 = vector.shape_cast %or3A_246 : vector<16xi32> to vector<1x16xi32>
        tpu.vector_store %arg15[%swap3A_247, %swap3A_248], %swap3A_251 {strides = array<i32>} : memref<100x128xi32, #tpu.memory_space<vmem>>, vector<1x16xi32>,
        %get3A_252 = arith.index_cast %add3A_165 : i32 to index
        %get3A_253 = arith.constant 32 : index
        %get3A_254 = tpu.vector_load %arg13[%get3A_252, %get3A_253] {strides = array<i32>} : memref<200x64xi32, #tpu.memory_space<vmem>>, vector<1x16xi32>,
        %get3A_255 = vector.shape_cast %get3A_254 : vector<1x16xi32> to vector<16xi32>
        %get3A_256 = arith.index_cast %add3A_165 : i32 to index
        %get3A_257 = arith.constant 32 : index
        %get3A_258 = tpu.vector_load %arg14[%get3A_256, %get3A_257] {strides = array<i32>} : memref<200x64xi32, #tpu.memory_space<vmem>>, vector<1x16xi32>,
        %get3A_259 = vector.shape_cast %get3A_258 : vector<1x16xi32> to vector<16xi32>
        %shift_left3A_260 = arith.constant 16 : i32
        %shift_left3A_261 = vector.broadcast %shift_left3A_260 : i32 to vector<16xi32>
        %shift_left3A_262 = arith.shli %get3A_255, %shift_left3A_261 : vector<16xi32>
        %bitcast_convert_type3A_263 = tpu.bitcast %shift_left3A_262 : vector<16xi32> -> vector<16xf32>
        %and3A_264 = arith.constant -65536 : i32
        %and3A_265 = vector.broadcast %and3A_264 : i32 to vector<16xi32>
        %and3A_266 = arith.andi %get3A_255, %and3A_265 : vector<16xi32>
        %bitcast_convert_type3A_267 = tpu.bitcast %and3A_266 : vector<16xi32> -> vector<16xf32>
        %shift_left3A_268 = arith.constant 16 : i32
        %shift_left3A_269 = vector.broadcast %shift_left3A_268 : i32 to vector<16xi32>
        %shift_left3A_270 = arith.shli %get3A_259, %shift_left3A_269 : vector<16xi32>
        %bitcast_convert_type3A_271 = tpu.bitcast %shift_left3A_270 : vector<16xi32> -> vector<16xf32>
        %and3A_272 = arith.constant -65536 : i32
        %and3A_273 = vector.broadcast %and3A_272 : i32 to vector<16xi32>
        %and3A_274 = arith.andi %get3A_259, %and3A_273 : vector<16xi32>
        %bitcast_convert_type3A_275 = tpu.bitcast %and3A_274 : vector<16xi32> -> vector<16xf32>
        %mul3A_276 = arith.mulf %bitcast_convert_type3A_263, %bitcast_convert_type3A_271 : vector<16xf32>
        %bitcast_convert_type3A_277 = tpu.bitcast %mul3A_276 : vector<16xf32> -> vector<16xi32>
        %add3A_278 = arith.constant 32768 : i32
        %add3A_279 = vector.broadcast %add3A_278 : i32 to vector<16xi32>
        %add3A_280 = arith.addi %bitcast_convert_type3A_277, %add3A_279 : vector<16xi32>
        %mul3A_281 = arith.mulf %bitcast_convert_type3A_267, %bitcast_convert_type3A_275 : vector<16xf32>
        %bitcast_convert_type3A_282 = tpu.bitcast %mul3A_281 : vector<16xf32> -> vector<16xi32>
        %add3A_283 = arith.constant 32768 : i32
        %add3A_284 = vector.broadcast %add3A_283 : i32 to vector<16xi32>
        %add3A_285 = arith.addi %bitcast_convert_type3A_282, %add3A_284 : vector<16xi32>
        %shift_right_logical3A_286 = arith.constant 16 : i32
        %shift_right_logical3A_287 = vector.broadcast %shift_right_logical3A_286 : i32 to vector<16xi32>
        %shift_right_logical3A_288 = arith.shrui %add3A_280, %shift_right_logical3A_287 : vector<16xi32>
        %and3A_289 = arith.constant -65536 : i32
        %and3A_290 = vector.broadcast %and3A_289 : i32 to vector<16xi32>
        %and3A_291 = arith.andi %add3A_285, %and3A_290 : vector<16xi32>
        %or3A_292 = arith.ori %shift_right_logical3A_288, %and3A_291 : vector<16xi32>
        %swap3A_293 = arith.index_cast %scan3A_161 : i32 to index
        %swap3A_294 = arith.constant 32 : index
        %swap3A_295 = tpu.vector_load %arg15[%swap3A_293, %swap3A_294] {strides = array<i32>} : memref<100x128xi32, #tpu.memory_space<vmem>>, vector<1x16xi32>,
        %swap3A_296 = vector.shape_cast %swap3A_295 : vector<1x16xi32> to vector<16xi32>
        %swap3A_297 = vector.shape_cast %or3A_292 : vector<16xi32> to vector<1x16xi32>
        tpu.vector_store %arg15[%swap3A_293, %swap3A_294], %swap3A_297 {strides = array<i32>} : memref<100x128xi32, #tpu.memory_space<vmem>>, vector<1x16xi32>,
        %get3A_298 = arith.index_cast %add3A_165 : i32 to index
        %get3A_299 = arith.constant 48 : index
        %get3A_300 = tpu.vector_load %arg13[%get3A_298, %get3A_299] {strides = array<i32>} : memref<200x64xi32, #tpu.memory_space<vmem>>, vector<1x16xi32>,
        %get3A_301 = vector.shape_cast %get3A_300 : vector<1x16xi32> to vector<16xi32>
        %get3A_302 = arith.index_cast %add3A_165 : i32 to index
        %get3A_303 = arith.constant 48 : index
        %get3A_304 = tpu.vector_load %arg14[%get3A_302, %get3A_303] {strides = array<i32>} : memref<200x64xi32, #tpu.memory_space<vmem>>, vector<1x16xi32>,
        %get3A_305 = vector.shape_cast %get3A_304 : vector<1x16xi32> to vector<16xi32>
        %shift_left3A_306 = arith.constant 16 : i32
        %shift_left3A_307 = vector.broadcast %shift_left3A_306 : i32 to vector<16xi32>
        %shift_left3A_308 = arith.shli %get3A_301, %shift_left3A_307 : vector<16xi32>
        %bitcast_convert_type3A_309 = tpu.bitcast %shift_left3A_308 : vector<16xi32> -> vector<16xf32>
        %and3A_310 = arith.constant -65536 : i32
        %and3A_311 = vector.broadcast %and3A_310 : i32 to vector<16xi32>
        %and3A_312 = arith.andi %get3A_301, %and3A_311 : vector<16xi32>
        %bitcast_convert_type3A_313 = tpu.bitcast %and3A_312 : vector<16xi32> -> vector<16xf32>
        %shift_left3A_314 = arith.constant 16 : i32
        %shift_left3A_315 = vector.broadcast %shift_left3A_314 : i32 to vector<16xi32>
        %shift_left3A_316 = arith.shli %get3A_305, %shift_left3A_315 : vector<16xi32>
        %bitcast_convert_type3A_317 = tpu.bitcast %shift_left3A_316 : vector<16xi32> -> vector<16xf32>
        %and3A_318 = arith.constant -65536 : i32
        %and3A_319 = vector.broadcast %and3A_318 : i32 to vector<16xi32>
        %and3A_320 = arith.andi %get3A_305, %and3A_319 : vector<16xi32>
        %bitcast_convert_type3A_321 = tpu.bitcast %and3A_320 : vector<16xi32> -> vector<16xf32>
        %mul3A_322 = arith.mulf %bitcast_convert_type3A_309, %bitcast_convert_type3A_317 : vector<16xf32>
        %bitcast_convert_type3A_323 = tpu.bitcast %mul3A_322 : vector<16xf32> -> vector<16xi32>
        %add3A_324 = arith.constant 32768 : i32
        %add3A_325 = vector.broadcast %add3A_324 : i32 to vector<16xi32>
        %add3A_326 = arith.addi %bitcast_convert_type3A_323, %add3A_325 : vector<16xi32>
        %mul3A_327 = arith.mulf %bitcast_convert_type3A_313, %bitcast_convert_type3A_321 : vector<16xf32>
        %bitcast_convert_type3A_328 = tpu.bitcast %mul3A_327 : vector<16xf32> -> vector<16xi32>
        %add3A_329 = arith.constant 32768 : i32
        %add3A_330 = vector.broadcast %add3A_329 : i32 to vector<16xi32>
        %add3A_331 = arith.addi %bitcast_convert_type3A_328, %add3A_330 : vector<16xi32>
        %shift_right_logical3A_332 = arith.constant 16 : i32
        %shift_right_logical3A_333 = vector.broadcast %shift_right_logical3A_332 : i32 to vector<16xi32>
        %shift_right_logical3A_334 = arith.shrui %add3A_326, %shift_right_logical3A_333 : vector<16xi32>
        %and3A_335 = arith.constant -65536 : i32
        %and3A_336 = vector.broadcast %and3A_335 : i32 to vector<16xi32>
        %and3A_337 = arith.andi %add3A_331, %and3A_336 : vector<16xi32>
        %or3A_338 = arith.ori %shift_right_logical3A_334, %and3A_337 : vector<16xi32>
        %swap3A_339 = arith.index_cast %scan3A_161 : i32 to index
        %swap3A_340 = arith.constant 48 : index
        %swap3A_341 = tpu.vector_load %arg15[%swap3A_339, %swap3A_340] {strides = array<i32>} : memref<100x128xi32, #tpu.memory_space<vmem>>, vector<1x16xi32>,
        %swap3A_342 = vector.shape_cast %swap3A_341 : vector<1x16xi32> to vector<16xi32>
        %swap3A_343 = vector.shape_cast %or3A_338 : vector<16xi32> to vector<1x16xi32>
        tpu.vector_store %arg15[%swap3A_339, %swap3A_340], %swap3A_343 {strides = array<i32>} : memref<100x128xi32, #tpu.memory_space<vmem>>, vector<1x16xi32>,
        %mul3A_344 = arith.constant 2 : i32
        %mul3A_345 = arith.muli %mul3A_344, %scan3A_161 : i32
        %add3A_346 = arith.constant 1 : i32
        %add3A_347 = arith.addi %mul3A_345, %add3A_346 : i32
        %get3A_348 = arith.index_cast %add3A_347 : i32 to index
        %get3A_349 = arith.constant 0 : index
        %get3A_350 = tpu.vector_load %arg13[%get3A_348, %get3A_349] {strides = array<i32>} : memref<200x64xi32, #tpu.memory_space<vmem>>, vector<1x16xi32>,
        %get3A_351 = vector.shape_cast %get3A_350 : vector<1x16xi32> to vector<16xi32>
        %get3A_352 = arith.index_cast %add3A_347 : i32 to index
        %get3A_353 = arith.constant 0 : index
        %get3A_354 = tpu.vector_load %arg14[%get3A_352, %get3A_353] {strides = array<i32>} : memref<200x64xi32, #tpu.memory_space<vmem>>, vector<1x16xi32>,
        %get3A_355 = vector.shape_cast %get3A_354 : vector<1x16xi32> to vector<16xi32>
        %shift_left3A_356 = arith.constant 16 : i32
        %shift_left3A_357 = vector.broadcast %shift_left3A_356 : i32 to vector<16xi32>
        %shift_left3A_358 = arith.shli %get3A_351, %shift_left3A_357 : vector<16xi32>
        %bitcast_convert_type3A_359 = tpu.bitcast %shift_left3A_358 : vector<16xi32> -> vector<16xf32>
        %and3A_360 = arith.constant -65536 : i32
        %and3A_361 = vector.broadcast %and3A_360 : i32 to vector<16xi32>
        %and3A_362 = arith.andi %get3A_351, %and3A_361 : vector<16xi32>
        %bitcast_convert_type3A_363 = tpu.bitcast %and3A_362 : vector<16xi32> -> vector<16xf32>
        %shift_left3A_364 = arith.constant 16 : i32
        %shift_left3A_365 = vector.broadcast %shift_left3A_364 : i32 to vector<16xi32>
        %shift_left3A_366 = arith.shli %get3A_355, %shift_left3A_365 : vector<16xi32>
        %bitcast_convert_type3A_367 = tpu.bitcast %shift_left3A_366 : vector<16xi32> -> vector<16xf32>
        %and3A_368 = arith.constant -65536 : i32
        %and3A_369 = vector.broadcast %and3A_368 : i32 to vector<16xi32>
        %and3A_370 = arith.andi %get3A_355, %and3A_369 : vector<16xi32>
        %bitcast_convert_type3A_371 = tpu.bitcast %and3A_370 : vector<16xi32> -> vector<16xf32>
        %mul3A_372 = arith.mulf %bitcast_convert_type3A_359, %bitcast_convert_type3A_367 : vector<16xf32>
        %bitcast_convert_type3A_373 = tpu.bitcast %mul3A_372 : vector<16xf32> -> vector<16xi32>
        %add3A_374 = arith.constant 32768 : i32
        %add3A_375 = vector.broadcast %add3A_374 : i32 to vector<16xi32>
        %add3A_376 = arith.addi %bitcast_convert_type3A_373, %add3A_375 : vector<16xi32>
        %mul3A_377 = arith.mulf %bitcast_convert_type3A_363, %bitcast_convert_type3A_371 : vector<16xf32>
        %bitcast_convert_type3A_378 = tpu.bitcast %mul3A_377 : vector<16xf32> -> vector<16xi32>
        %add3A_379 = arith.constant 32768 : i32
        %add3A_380 = vector.broadcast %add3A_379 : i32 to vector<16xi32>
        %add3A_381 = arith.addi %bitcast_convert_type3A_378, %add3A_380 : vector<16xi32>
        %shift_right_logical3A_382 = arith.constant 16 : i32
        %shift_right_logical3A_383 = vector.broadcast %shift_right_logical3A_382 : i32 to vector<16xi32>
        %shift_right_logical3A_384 = arith.shrui %add3A_376, %shift_right_logical3A_383 : vector<16xi32>
        %and3A_385 = arith.constant -65536 : i32
        %and3A_386 = vector.broadcast %and3A_385 : i32 to vector<16xi32>
        %and3A_387 = arith.andi %add3A_381, %and3A_386 : vector<16xi32>
        %or3A_388 = arith.ori %shift_right_logical3A_384, %and3A_387 : vector<16xi32>
        %swap3A_389 = arith.index_cast %scan3A_161 : i32 to index
        %swap3A_390 = arith.constant 64 : index
        %swap3A_391 = tpu.vector_load %arg15[%swap3A_389, %swap3A_390] {strides = array<i32>} : memref<100x128xi32, #tpu.memory_space<vmem>>, vector<1x16xi32>,
        %swap3A_392 = vector.shape_cast %swap3A_391 : vector<1x16xi32> to vector<16xi32>
        %swap3A_393 = vector.shape_cast %or3A_388 : vector<16xi32> to vector<1x16xi32>
        tpu.vector_store %arg15[%swap3A_389, %swap3A_390], %swap3A_393 {strides = array<i32>} : memref<100x128xi32, #tpu.memory_space<vmem>>, vector<1x16xi32>,
        %get3A_394 = arith.index_cast %add3A_347 : i32 to index
        %get3A_395 = arith.constant 16 : index
        %get3A_396 = tpu.vector_load %arg13[%get3A_394, %get3A_395] {strides = array<i32>} : memref<200x64xi32, #tpu.memory_space<vmem>>, vector<1x16xi32>,
        %get3A_397 = vector.shape_cast %get3A_396 : vector<1x16xi32> to vector<16xi32>
        %get3A_398 = arith.index_cast %add3A_347 : i32 to index
        %get3A_399 = arith.constant 16 : index
        %get3A_400 = tpu.vector_load %arg14[%get3A_398, %get3A_399] {strides = array<i32>} : memref<200x64xi32, #tpu.memory_space<vmem>>, vector<1x16xi32>,
        %get3A_401 = vector.shape_cast %get3A_400 : vector<1x16xi32> to vector<16xi32>
        %shift_left3A_402 = arith.constant 16 : i32
        %shift_left3A_403 = vector.broadcast %shift_left3A_402 : i32 to vector<16xi32>
        %shift_left3A_404 = arith.shli %get3A_397, %shift_left3A_403 : vector<16xi32>
        %bitcast_convert_type3A_405 = tpu.bitcast %shift_left3A_404 : vector<16xi32> -> vector<16xf32>
        %and3A_406 = arith.constant -65536 : i32
        %and3A_407 = vector.broadcast %and3A_406 : i32 to vector<16xi32>
        %and3A_408 = arith.andi %get3A_397, %and3A_407 : vector<16xi32>
        %bitcast_convert_type3A_409 = tpu.bitcast %and3A_408 : vector<16xi32> -> vector<16xf32>
        %shift_left3A_410 = arith.constant 16 : i32
        %shift_left3A_411 = vector.broadcast %shift_left3A_410 : i32 to vector<16xi32>
        %shift_left3A_412 = arith.shli %get3A_401, %shift_left3A_411 : vector<16xi32>
        %bitcast_convert_type3A_413 = tpu.bitcast %shift_left3A_412 : vector<16xi32> -> vector<16xf32>
        %and3A_414 = arith.constant -65536 : i32
        %and3A_415 = vector.broadcast %and3A_414 : i32 to vector<16xi32>
        %and3A_416 = arith.andi %get3A_401, %and3A_415 : vector<16xi32>
        %bitcast_convert_type3A_417 = tpu.bitcast %and3A_416 : vector<16xi32> -> vector<16xf32>
        %mul3A_418 = arith.mulf %bitcast_convert_type3A_405, %bitcast_convert_type3A_413 : vector<16xf32>
        %bitcast_convert_type3A_419 = tpu.bitcast %mul3A_418 : vector<16xf32> -> vector<16xi32>
        %add3A_420 = arith.constant 32768 : i32
        %add3A_421 = vector.broadcast %add3A_420 : i32 to vector<16xi32>
        %add3A_422 = arith.addi %bitcast_convert_type3A_419, %add3A_421 : vector<16xi32>
        %mul3A_423 = arith.mulf %bitcast_convert_type3A_409, %bitcast_convert_type3A_417 : vector<16xf32>
        %bitcast_convert_type3A_424 = tpu.bitcast %mul3A_423 : vector<16xf32> -> vector<16xi32>
        %add3A_425 = arith.constant 32768 : i32
        %add3A_426 = vector.broadcast %add3A_425 : i32 to vector<16xi32>
        %add3A_427 = arith.addi %bitcast_convert_type3A_424, %add3A_426 : vector<16xi32>
        %shift_right_logical3A_428 = arith.constant 16 : i32
        %shift_right_logical3A_429 = vector.broadcast %shift_right_logical3A_428 : i32 to vector<16xi32>
        %shift_right_logical3A_430 = arith.shrui %add3A_422, %shift_right_logical3A_429 : vector<16xi32>
        %and3A_431 = arith.constant -65536 : i32
        %and3A_432 = vector.broadcast %and3A_431 : i32 to vector<16xi32>
        %and3A_433 = arith.andi %add3A_427, %and3A_432 : vector<16xi32>
        %or3A_434 = arith.ori %shift_right_logical3A_430, %and3A_433 : vector<16xi32>
        %swap3A_435 = arith.index_cast %scan3A_161 : i32 to index
        %swap3A_436 = arith.constant 80 : index
        %swap3A_437 = tpu.vector_load %arg15[%swap3A_435, %swap3A_436] {strides = array<i32>} : memref<100x128xi32, #tpu.memory_space<vmem>>, vector<1x16xi32>,
        %swap3A_438 = vector.shape_cast %swap3A_437 : vector<1x16xi32> to vector<16xi32>
        %swap3A_439 = vector.shape_cast %or3A_434 : vector<16xi32> to vector<1x16xi32>
        tpu.vector_store %arg15[%swap3A_435, %swap3A_436], %swap3A_439 {strides = array<i32>} : memref<100x128xi32, #tpu.memory_space<vmem>>, vector<1x16xi32>,
        %get3A_440 = arith.index_cast %add3A_347 : i32 to index
        %get3A_441 = arith.constant 32 : index
        %get3A_442 = tpu.vector_load %arg13[%get3A_440, %get3A_441] {strides = array<i32>} : memref<200x64xi32, #tpu.memory_space<vmem>>, vector<1x16xi32>,
        %get3A_443 = vector.shape_cast %get3A_442 : vector<1x16xi32> to vector<16xi32>
        %get3A_444 = arith.index_cast %add3A_347 : i32 to index
        %get3A_445 = arith.constant 32 : index
        %get3A_446 = tpu.vector_load %arg14[%get3A_444, %get3A_445] {strides = array<i32>} : memref<200x64xi32, #tpu.memory_space<vmem>>, vector<1x16xi32>,
        %get3A_447 = vector.shape_cast %get3A_446 : vector<1x16xi32> to vector<16xi32>
        %shift_left3A_448 = arith.constant 16 : i32
        %shift_left3A_449 = vector.broadcast %shift_left3A_448 : i32 to vector<16xi32>
        %shift_left3A_450 = arith.shli %get3A_443, %shift_left3A_449 : vector<16xi32>
        %bitcast_convert_type3A_451 = tpu.bitcast %shift_left3A_450 : vector<16xi32> -> vector<16xf32>
        %and3A_452 = arith.constant -65536 : i32
        %and3A_453 = vector.broadcast %and3A_452 : i32 to vector<16xi32>
        %and3A_454 = arith.andi %get3A_443, %and3A_453 : vector<16xi32>
        %bitcast_convert_type3A_455 = tpu.bitcast %and3A_454 : vector<16xi32> -> vector<16xf32>
        %shift_left3A_456 = arith.constant 16 : i32
        %shift_left3A_457 = vector.broadcast %shift_left3A_456 : i32 to vector<16xi32>
        %shift_left3A_458 = arith.shli %get3A_447, %shift_left3A_457 : vector<16xi32>
        %bitcast_convert_type3A_459 = tpu.bitcast %shift_left3A_458 : vector<16xi32> -> vector<16xf32>
        %and3A_460 = arith.constant -65536 : i32
        %and3A_461 = vector.broadcast %and3A_460 : i32 to vector<16xi32>
        %and3A_462 = arith.andi %get3A_447, %and3A_461 : vector<16xi32>
        %bitcast_convert_type3A_463 = tpu.bitcast %and3A_462 : vector<16xi32> -> vector<16xf32>
        %mul3A_464 = arith.mulf %bitcast_convert_type3A_451, %bitcast_convert_type3A_459 : vector<16xf32>
        %bitcast_convert_type3A_465 = tpu.bitcast %mul3A_464 : vector<16xf32> -> vector<16xi32>
        %add3A_466 = arith.constant 32768 : i32
        %add3A_467 = vector.broadcast %add3A_466 : i32 to vector<16xi32>
        %add3A_468 = arith.addi %bitcast_convert_type3A_465, %add3A_467 : vector<16xi32>
        %mul3A_469 = arith.mulf %bitcast_convert_type3A_455, %bitcast_convert_type3A_463 : vector<16xf32>
        %bitcast_convert_type3A_470 = tpu.bitcast %mul3A_469 : vector<16xf32> -> vector<16xi32>
        %add3A_471 = arith.constant 32768 : i32
        %add3A_472 = vector.broadcast %add3A_471 : i32 to vector<16xi32>
        %add3A_473 = arith.addi %bitcast_convert_type3A_470, %add3A_472 : vector<16xi32>
        %shift_right_logical3A_474 = arith.constant 16 : i32
        %shift_right_logical3A_475 = vector.broadcast %shift_right_logical3A_474 : i32 to vector<16xi32>
        %shift_right_logical3A_476 = arith.shrui %add3A_468, %shift_right_logical3A_475 : vector<16xi32>
        %and3A_477 = arith.constant -65536 : i32
        %and3A_478 = vector.broadcast %and3A_477 : i32 to vector<16xi32>
        %and3A_479 = arith.andi %add3A_473, %and3A_478 : vector<16xi32>
        %or3A_480 = arith.ori %shift_right_logical3A_476, %and3A_479 : vector<16xi32>
        %swap3A_481 = arith.index_cast %scan3A_161 : i32 to index
        %swap3A_482 = arith.constant 96 : index
        %swap3A_483 = tpu.vector_load %arg15[%swap3A_481, %swap3A_482] {strides = array<i32>} : memref<100x128xi32, #tpu.memory_space<vmem>>, vector<1x16xi32>,
        %swap3A_484 = vector.shape_cast %swap3A_483 : vector<1x16xi32> to vector<16xi32>
        %swap3A_485 = vector.shape_cast %or3A_480 : vector<16xi32> to vector<1x16xi32>
        tpu.vector_store %arg15[%swap3A_481, %swap3A_482], %swap3A_485 {strides = array<i32>} : memref<100x128xi32, #tpu.memory_space<vmem>>, vector<1x16xi32>,
        %get3A_486 = arith.index_cast %add3A_347 : i32 to index
        %get3A_487 = arith.constant 48 : index
        %get3A_488 = tpu.vector_load %arg13[%get3A_486, %get3A_487] {strides = array<i32>} : memref<200x64xi32, #tpu.memory_space<vmem>>, vector<1x16xi32>,
        %get3A_489 = vector.shape_cast %get3A_488 : vector<1x16xi32> to vector<16xi32>
        %get3A_490 = arith.index_cast %add3A_347 : i32 to index
        %get3A_491 = arith.constant 48 : index
        %get3A_492 = tpu.vector_load %arg14[%get3A_490, %get3A_491] {strides = array<i32>} : memref<200x64xi32, #tpu.memory_space<vmem>>, vector<1x16xi32>,
        %get3A_493 = vector.shape_cast %get3A_492 : vector<1x16xi32> to vector<16xi32>
        %shift_left3A_494 = arith.constant 16 : i32
        %shift_left3A_495 = vector.broadcast %shift_left3A_494 : i32 to vector<16xi32>
        %shift_left3A_496 = arith.shli %get3A_489, %shift_left3A_495 : vector<16xi32>
        %bitcast_convert_type3A_497 = tpu.bitcast %shift_left3A_496 : vector<16xi32> -> vector<16xf32>
        %and3A_498 = arith.constant -65536 : i32
        %and3A_499 = vector.broadcast %and3A_498 : i32 to vector<16xi32>
        %and3A_500 = arith.andi %get3A_489, %and3A_499 : vector<16xi32>
        %bitcast_convert_type3A_501 = tpu.bitcast %and3A_500 : vector<16xi32> -> vector<16xf32>
        %shift_left3A_502 = arith.constant 16 : i32
        %shift_left3A_503 = vector.broadcast %shift_left3A_502 : i32 to vector<16xi32>
        %shift_left3A_504 = arith.shli %get3A_493, %shift_left3A_503 : vector<16xi32>
        %bitcast_convert_type3A_505 = tpu.bitcast %shift_left3A_504 : vector<16xi32> -> vector<16xf32>
        %and3A_506 = arith.constant -65536 : i32
        %and3A_507 = vector.broadcast %and3A_506 : i32 to vector<16xi32>
        %and3A_508 = arith.andi %get3A_493, %and3A_507 : vector<16xi32>
        %bitcast_convert_type3A_509 = tpu.bitcast %and3A_508 : vector<16xi32> -> vector<16xf32>
        %mul3A_510 = arith.mulf %bitcast_convert_type3A_497, %bitcast_convert_type3A_505 : vector<16xf32>
        %bitcast_convert_type3A_511 = tpu.bitcast %mul3A_510 : vector<16xf32> -> vector<16xi32>
        %add3A_512 = arith.constant 32768 : i32
        %add3A_513 = vector.broadcast %add3A_512 : i32 to vector<16xi32>
        %add3A_514 = arith.addi %bitcast_convert_type3A_511, %add3A_513 : vector<16xi32>
        %mul3A_515 = arith.mulf %bitcast_convert_type3A_501, %bitcast_convert_type3A_509 : vector<16xf32>
        %bitcast_convert_type3A_516 = tpu.bitcast %mul3A_515 : vector<16xf32> -> vector<16xi32>
        %add3A_517 = arith.constant 32768 : i32
        %add3A_518 = vector.broadcast %add3A_517 : i32 to vector<16xi32>
        %add3A_519 = arith.addi %bitcast_convert_type3A_516, %add3A_518 : vector<16xi32>
        %shift_right_logical3A_520 = arith.constant 16 : i32
        %shift_right_logical3A_521 = vector.broadcast %shift_right_logical3A_520 : i32 to vector<16xi32>
        %shift_right_logical3A_522 = arith.shrui %add3A_514, %shift_right_logical3A_521 : vector<16xi32>
        %and3A_523 = arith.constant -65536 : i32
        %and3A_524 = vector.broadcast %and3A_523 : i32 to vector<16xi32>
        %and3A_525 = arith.andi %add3A_519, %and3A_524 : vector<16xi32>
        %or3A_526 = arith.ori %shift_right_logical3A_522, %and3A_525 : vector<16xi32>
        %swap3A_527 = arith.index_cast %scan3A_161 : i32 to index
        %swap3A_528 = arith.constant 112 : index
        %swap3A_529 = tpu.vector_load %arg15[%swap3A_527, %swap3A_528] {strides = array<i32>} : memref<100x128xi32, #tpu.memory_space<vmem>>, vector<1x16xi32>,
        %swap3A_530 = vector.shape_cast %swap3A_529 : vector<1x16xi32> to vector<16xi32>
        %swap3A_531 = vector.shape_cast %or3A_526 : vector<16xi32> to vector<1x16xi32>
        tpu.vector_store %arg15[%swap3A_527, %swap3A_528], %swap3A_531 {strides = array<i32>} : memref<100x128xi32, #tpu.memory_space<vmem>>, vector<1x16xi32>,
      }
      %scan3A_127 = arith.constant 100 : i32
      %add3A_128 = arith.constant 1 : i32
      %add3A_129 = arith.addi %mul3A_47, %add3A_128 : i32
      %mul3A_130 = arith.constant 200 : i32
      %mul3A_131 = arith.muli %add3A_129, %mul3A_130 : i32
      %add3A_132 = arith.addi %mul3A_2, %mul3A_131 : i32
      %jit3A_133 = arith.constant 2 : i32
      %div3A_134 = arith.divsi %add3A_132, %jit3A_133 : i32
      %sign3A_135 = arith.constant 0 : i32
      %sign3A_136 = arith.cmpi sgt, %add3A_132, %sign3A_135 : i32
      %sign3A_137 = arith.extui %sign3A_136 : i1 to i32
      %sign3A_138 = arith.constant 0 : i32
      %sign3A_139 = arith.cmpi slt, %add3A_132, %sign3A_138 : i32
      %sign3A_140 = arith.extui %sign3A_139 : i1 to i32
      %sign3A_141 = arith.subi %sign3A_137, %sign3A_140 : i32
      %sign3A_142 = arith.constant 0 : i32
      %sign3A_143 = arith.cmpi sgt, %jit3A_133, %sign3A_142 : i32
      %sign3A_144 = arith.extui %sign3A_143 : i1 to i32
      %sign3A_145 = arith.constant 0 : i32
      %sign3A_146 = arith.cmpi slt, %jit3A_133, %sign3A_145 : i32
      %sign3A_147 = arith.extui %sign3A_146 : i1 to i32
      %sign3A_148 = arith.subi %sign3A_144, %sign3A_147 : i32
      %ne3A_149 = arith.cmpi ne, %sign3A_141, %sign3A_148 : i32
      %rem3A_150 = arith.remsi %add3A_132, %jit3A_133 : i32
      %ne3A_151 = arith.constant 0 : i32
      %ne3A_152 = arith.cmpi ne, %rem3A_150, %ne3A_151 : i32
      %and3A_153 = arith.andi %ne3A_149, %ne3A_152 : i1
      %sub3A_154 = arith.constant 1 : i32
      %sub3A_155 = arith.subi %div3A_134, %sub3A_154 : i32
      %select_n3A_156 = arith.select %and3A_153, %sub3A_155, %div3A_134 : i32
      %dma_start3A_157 = arith.constant 0 : i32
      %dma_start3A_158 = tpu.memref_slice %arg5[%select_n3A_156, %dma_start3A_157] : memref<160000x128xi32, #tpu.memory_space<hbm>> -> memref<100x128xi32, #tpu.memory_space<hbm>>
      %dma_start3A_159 = arith.constant 0 : i32
      %dma_start3A_160 = tpu.memref_slice %arg5[%select_n3A_156, %dma_start3A_159] : memref<160000x128xi32, #tpu.memory_space<hbm>> -> memref<100x128xi32, #tpu.memory_space<hbm>>
      tpu.enqueue_dma source(%arg15 : memref<100x128xi32, #tpu.memory_space<vmem>>) target(%dma_start3A_160 : memref<100x128xi32, #tpu.memory_space<hbm>>) target_semaphore(%arg22 : memref<!tpu.dma_semaphore, #tpu.memory_space<semaphore_mem>>)
    }
    %scan3A_32 = arith.constant 25 : i32
    %dma_wait3A_33 = arith.constant 0 : i32
    %dma_wait3A_34 = arith.constant 0 : i32
    %dma_wait3A_35 = tpu.memref_slice %arg5[%dma_wait3A_33, %dma_wait3A_34] : memref<160000x128xi32, #tpu.memory_space<hbm>> -> memref<100x128xi32, #tpu.memory_space<hbm>>
    %dma_wait3A_36 = arith.constant 0 : i32
    %dma_wait3A_37 = arith.constant 0 : i32
    %dma_wait3A_38 = tpu.memref_slice %arg5[%dma_wait3A_36, %dma_wait3A_37] : memref<160000x128xi32, #tpu.memory_space<hbm>> -> memref<100x128xi32, #tpu.memory_space<hbm>>
    tpu.wait_dma2 semaphore(%arg21 : memref<!tpu.dma_semaphore, #tpu.memory_space<semaphore_mem>>) src(%arg12 : memref<100x128xi32, #tpu.memory_space<vmem>>) dst(%dma_wait3A_38 : memref<100x128xi32, #tpu.memory_space<hbm>>)
    %dma_wait3A_39 = arith.constant 0 : i32
    %dma_wait3A_40 = arith.constant 0 : i32
    %dma_wait3A_41 = tpu.memref_slice %arg5[%dma_wait3A_39, %dma_wait3A_40] : memref<160000x128xi32, #tpu.memory_space<hbm>> -> memref<100x128xi32, #tpu.memory_space<hbm>>
    %dma_wait3A_42 = arith.constant 0 : i32
    %dma_wait3A_43 = arith.constant 0 : i32
    %dma_wait3A_44 = tpu.memref_slice %arg5[%dma_wait3A_42, %dma_wait3A_43] : memref<160000x128xi32, #tpu.memory_space<hbm>> -> memref<100x128xi32, #tpu.memory_space<hbm>>
    tpu.wait_dma2 semaphore(%arg22 : memref<!tpu.dma_semaphore, #tpu.memory_space<semaphore_mem>>) src(%arg15 : memref<100x128xi32, #tpu.memory_space<vmem>>) dst(%dma_wait3A_44 : memref<100x128xi32, #tpu.memory_space<hbm>>)
    return
  }
}

module attributes {stable_mosaic.version = 14 : i64} {
  func.func @_tc_mlp(%arg0: i32, %arg1: memref<1600x128xi32, #tpu.memory_space<vmem>>, %arg2: memref<64x128xbf16, #tpu.memory_space<vmem>>, %arg3: memref<64x128xbf16, #tpu.memory_space<vmem>>, %arg4: memref<1x128xf32, #tpu.memory_space<vmem>>, %arg5: memref<1x128xf32, #tpu.memory_space<vmem>>, %arg6: memref<1x1xf32, #tpu.memory_space<vmem>>, %arg7: memref<1600x2xf32, #tpu.memory_space<vmem>>) attributes {dimension_semantics = [#tpu.dimension_semantics<arbitrary>], iteration_bounds = array<i64: 100>, scalar_prefetch = 0 : i64, scratch_operands = 0 : i64, tpu.core_type = #tpu.core_type<tc>, window_params = [{transform_indices = @transform_0, window_bounds = array<i64: 1600, 128>}, {pipeline_mode = #tpu.pipeline_mode<synchronous>, transform_indices = @transform_1, window_bounds = array<i64: 64, 128>}, {pipeline_mode = #tpu.pipeline_mode<synchronous>, transform_indices = @transform_2, window_bounds = array<i64: 64, 128>}, {pipeline_mode = #tpu.pipeline_mode<synchronous>, transform_indices = @transform_3, window_bounds = array<i64: 1, 128>}, {pipeline_mode = #tpu.pipeline_mode<synchronous>, transform_indices = @transform_4, window_bounds = array<i64: 1, 128>}, {pipeline_mode = #tpu.pipeline_mode<synchronous>, transform_indices = @transform_5, window_bounds = array<i64: 1, 1>}, {transform_indices = @transform_6, window_bounds = array<i64: 1600, 2>}]} {
    %get3A = arith.constant 0 : index
    %get3A_0 = arith.constant 0 : index
    %get3A_1 = vector.load %arg1[%get3A, %get3A_0] : memref<1600x128xi32, #tpu.memory_space<vmem>>, vector<1600x128xi32>
    %shift_left3A = arith.constant 16 : i32
    %shift_left3A_2 = vector.broadcast %shift_left3A : i32 to vector<1600x128xi32>
    %shift_left3A_3 = arith.shli %get3A_1, %shift_left3A_2 : vector<1600x128xi32>
    %bitcast_convert_type3A = tpu.bitcast %shift_left3A_3 : vector<1600x128xi32> -> vector<1600x128xf32>
    %convert_element_type3A = arith.truncf %bitcast_convert_type3A : vector<1600x128xf32> to vector<1600x128xbf16>
    %and3A = arith.constant -65536 : i32
    %and3A_4 = vector.broadcast %and3A : i32 to vector<1600x128xi32>
    %and3A_5 = arith.andi %get3A_1, %and3A_4 : vector<1600x128xi32>
    %bitcast_convert_type3A_6 = tpu.bitcast %and3A_5 : vector<1600x128xi32> -> vector<1600x128xf32>
    %convert_element_type3A_7 = arith.truncf %bitcast_convert_type3A_6 : vector<1600x128xf32> to vector<1600x128xbf16>
    %get3A_8 = arith.constant 0 : index
    %get3A_9 = arith.constant 0 : index
    %get3A_10 = vector.load %arg2[%get3A_8, %get3A_9] : memref<64x128xbf16, #tpu.memory_space<vmem>>, vector<64x128xbf16>
    %get3A_11 = arith.constant 0 : index
    %get3A_12 = arith.constant 0 : index
    %get3A_13 = vector.load %arg3[%get3A_11, %get3A_12] : memref<64x128xbf16, #tpu.memory_space<vmem>>, vector<64x128xbf16>
    %slice3A = vector.extract_strided_slice %convert_element_type3A {offsets = [0, 0], sizes = [1600, 64], strides = [1, 1]} : vector<1600x128xbf16> to vector<1600x64xbf16>
    %dot_general3A = arith.constant dense<0.000000e+00> : vector<1600x128xf32>
    %dot_general3A_14 = tpu.matmul %slice3A, %get3A_10, %dot_general3A {dimension_numbers = #tpu.dot_dimension_numbers<[1], [0], [0], [1], [0, 0, 1, 1], [], []>, transpose_lhs_hint = false} : vector<1600x64xbf16>, vector<64x128xbf16>, vector<1600x128xf32> -> vector<1600x128xf32>
    %slice3A_15 = vector.extract_strided_slice %convert_element_type3A_7 {offsets = [0, 0], sizes = [1600, 64], strides = [1, 1]} : vector<1600x128xbf16> to vector<1600x64xbf16>
    %dot_general3A_16 = arith.constant dense<0.000000e+00> : vector<1600x128xf32>
    %dot_general3A_17 = tpu.matmul %slice3A_15, %get3A_13, %dot_general3A_16 {dimension_numbers = #tpu.dot_dimension_numbers<[1], [0], [0], [1], [0, 0, 1, 1], [], []>, transpose_lhs_hint = false} : vector<1600x64xbf16>, vector<64x128xbf16>, vector<1600x128xf32> -> vector<1600x128xf32>
    %add3A = arith.addf %dot_general3A_14, %dot_general3A_17 : vector<1600x128xf32>
    %slice3A_18 = vector.extract_strided_slice %convert_element_type3A {offsets = [0, 64], sizes = [1600, 64], strides = [1, 1]} : vector<1600x128xbf16> to vector<1600x64xbf16>
    %dot_general3A_19 = arith.constant dense<0.000000e+00> : vector<1600x128xf32>
    %dot_general3A_20 = tpu.matmul %slice3A_18, %get3A_10, %dot_general3A_19 {dimension_numbers = #tpu.dot_dimension_numbers<[1], [0], [0], [1], [0, 0, 1, 1], [], []>, transpose_lhs_hint = false} : vector<1600x64xbf16>, vector<64x128xbf16>, vector<1600x128xf32> -> vector<1600x128xf32>
    %slice3A_21 = vector.extract_strided_slice %convert_element_type3A_7 {offsets = [0, 64], sizes = [1600, 64], strides = [1, 1]} : vector<1600x128xbf16> to vector<1600x64xbf16>
    %dot_general3A_22 = arith.constant dense<0.000000e+00> : vector<1600x128xf32>
    %dot_general3A_23 = tpu.matmul %slice3A_21, %get3A_13, %dot_general3A_22 {dimension_numbers = #tpu.dot_dimension_numbers<[1], [0], [0], [1], [0, 0, 1, 1], [], []>, transpose_lhs_hint = false} : vector<1600x64xbf16>, vector<64x128xbf16>, vector<1600x128xf32> -> vector<1600x128xf32>
    %add3A_24 = arith.addf %dot_general3A_20, %dot_general3A_23 : vector<1600x128xf32>
    %get3A_25 = arith.constant 0 : index
    %get3A_26 = arith.constant 0 : index
    %get3A_27 = vector.load %arg4[%get3A_25, %get3A_26] : memref<1x128xf32, #tpu.memory_space<vmem>>, vector<1x128xf32>
    %add3A_28 = vector.broadcast %get3A_27 : vector<1x128xf32> to vector<1600x128xf32>
    %add3A_29 = arith.addf %add3A, %add3A_28 : vector<1600x128xf32>
    %max3A = arith.constant 0.000000e+00 : f32
    %max3A_30 = vector.broadcast %max3A : f32 to vector<1600x128xf32>
    %max3A_31 = arith.maximumf %add3A_29, %max3A_30 : vector<1600x128xf32>
    %get3A_32 = arith.constant 0 : index
    %get3A_33 = arith.constant 0 : index
    %get3A_34 = vector.load %arg4[%get3A_32, %get3A_33] : memref<1x128xf32, #tpu.memory_space<vmem>>, vector<1x128xf32>
    %add3A_35 = vector.broadcast %get3A_34 : vector<1x128xf32> to vector<1600x128xf32>
    %add3A_36 = arith.addf %add3A_24, %add3A_35 : vector<1600x128xf32>
    %max3A_37 = arith.constant 0.000000e+00 : f32
    %max3A_38 = vector.broadcast %max3A_37 : f32 to vector<1600x128xf32>
    %max3A_39 = arith.maximumf %add3A_36, %max3A_38 : vector<1600x128xf32>
    %get3A_40 = arith.constant 0 : index
    %get3A_41 = arith.constant 0 : index
    %get3A_42 = vector.load %arg5[%get3A_40, %get3A_41] : memref<1x128xf32, #tpu.memory_space<vmem>>, vector<1x128xf32>
    %mul3A = vector.broadcast %get3A_42 : vector<1x128xf32> to vector<1600x128xf32>
    %mul3A_43 = arith.mulf %max3A_31, %mul3A : vector<1600x128xf32>
    %reduce_sum3A = arith.constant dense<0.000000e+00> : vector<1600xf32>
    %reduce_sum3A_44 = vector.multi_reduction <add>, %mul3A_43, %reduce_sum3A [1] : vector<1600x128xf32> to vector<1600xf32>
    %broadcast_in_dim3A = vector.shape_cast %reduce_sum3A_44 : vector<1600xf32> to vector<1600x1xf32>
    %get3A_45 = arith.constant 0 : index
    %get3A_46 = arith.constant 0 : index
    %get3A_47 = vector.load %arg6[%get3A_45, %get3A_46] : memref<1x1xf32, #tpu.memory_space<vmem>>, vector<1x1xf32>
    %add3A_48 = vector.broadcast %get3A_47 : vector<1x1xf32> to vector<1600x1xf32>
    %add3A_49 = arith.addf %broadcast_in_dim3A, %add3A_48 : vector<1600x1xf32>
    %get3A_50 = arith.constant 0 : index
    %get3A_51 = arith.constant 0 : index
    %get3A_52 = vector.load %arg5[%get3A_50, %get3A_51] : memref<1x128xf32, #tpu.memory_space<vmem>>, vector<1x128xf32>
    %mul3A_53 = vector.broadcast %get3A_52 : vector<1x128xf32> to vector<1600x128xf32>
    %mul3A_54 = arith.mulf %max3A_39, %mul3A_53 : vector<1600x128xf32>
    %reduce_sum3A_55 = arith.constant dense<0.000000e+00> : vector<1600xf32>
    %reduce_sum3A_56 = vector.multi_reduction <add>, %mul3A_54, %reduce_sum3A_55 [1] : vector<1600x128xf32> to vector<1600xf32>
    %broadcast_in_dim3A_57 = vector.shape_cast %reduce_sum3A_56 : vector<1600xf32> to vector<1600x1xf32>
    %get3A_58 = arith.constant 0 : index
    %get3A_59 = arith.constant 0 : index
    %get3A_60 = vector.load %arg6[%get3A_58, %get3A_59] : memref<1x1xf32, #tpu.memory_space<vmem>>, vector<1x1xf32>
    %add3A_61 = vector.broadcast %get3A_60 : vector<1x1xf32> to vector<1600x1xf32>
    %add3A_62 = arith.addf %broadcast_in_dim3A_57, %add3A_61 : vector<1600x1xf32>
    %concatenate3A = tpu.concatenate %add3A_49, %add3A_62 in 1 : vector<1600x1xf32>, vector<1600x1xf32> -> vector<1600x2xf32>
    %swap3A = arith.constant 0 : index
    %swap3A_63 = arith.constant 0 : index
    %swap3A_64 = vector.load %arg7[%swap3A, %swap3A_63] : memref<1600x2xf32, #tpu.memory_space<vmem>>, vector<1600x2xf32>
    tpu.vector_store %arg7[%swap3A, %swap3A_63], %concatenate3A {strides = array<i32>} : memref<1600x2xf32, #tpu.memory_space<vmem>>, vector<1600x2xf32>,
    return
  }
  func.func @transform_0(%arg0: i32) -> (i32, i32) {
    %c0_i32 = arith.constant 0 : i32
    %c0_i32_0 = arith.constant 0 : i32
    return %arg0, %c0_i32 : i32, i32
  }
  func.func @transform_1(%arg0: i32) -> (i32, i32) {
    %c0_i32 = arith.constant 0 : i32
    %c0_i32_0 = arith.constant 0 : i32
    %c0_i32_1 = arith.constant 0 : i32
    return %c0_i32, %c0_i32_0 : i32, i32
  }
  func.func @transform_2(%arg0: i32) -> (i32, i32) {
    %c0_i32 = arith.constant 0 : i32
    %c0_i32_0 = arith.constant 0 : i32
    %c0_i32_1 = arith.constant 0 : i32
    return %c0_i32, %c0_i32_0 : i32, i32
  }
  func.func @transform_3(%arg0: i32) -> (i32, i32) {
    %c0_i32 = arith.constant 0 : i32
    %c0_i32_0 = arith.constant 0 : i32
    %c0_i32_1 = arith.constant 0 : i32
    return %c0_i32, %c0_i32_0 : i32, i32
  }
  func.func @transform_4(%arg0: i32) -> (i32, i32) {
    %c0_i32 = arith.constant 0 : i32
    %c0_i32_0 = arith.constant 0 : i32
    %c0_i32_1 = arith.constant 0 : i32
    return %c0_i32, %c0_i32_0 : i32, i32
  }
  func.func @transform_5(%arg0: i32) -> (i32, i32) {
    %c0_i32 = arith.constant 0 : i32
    %c0_i32_0 = arith.constant 0 : i32
    %c0_i32_1 = arith.constant 0 : i32
    return %c0_i32, %c0_i32_0 : i32, i32
  }
  func.func @transform_6(%arg0: i32) -> (i32, i32) {
    %c0_i32 = arith.constant 0 : i32
    %c0_i32_0 = arith.constant 0 : i32
    return %arg0, %c0_i32 : i32, i32
  }
}

</mosaic_0001>

<sc_bundles>
// kernel: kernel.4.cloned.1.call-start
scs
__scs_entry_jumppad:
0x0: {  	(pc) =	sbr.rel $0x88, $3  }
0x1: {  	(tag) =	ssettag $0x0;
	lr =	simm.s32 $0x1  }
0x2: {  	[smem:$0x3F9B] =	sst lr;
	_ =	strace $0xD0000000  }
0x3: {  	_ = 	snop  }
0x4: {  	_ = 	snop  }
0x5: {  	_ = 	snop  }
0x6: {  	_ = 	snop  }
0x7: {  	_ = 	snop  }
__scs_overlays_trampoline_lowered:
0x8: {  	[smem:$0x3FAA] =	sst s0  }
0x9: {  	[smem:$0x3FAB] =	sst s1  }
0xa: {  	[smem:$0x3FAC] =	sst s2  }
0xb: {  	[smem:$0x3FAD] =	sst s3  }
0xc: {  	[smem:$0x3FAE] =	sst s4  }
0xd: {  	[smem:$0x3FAF] =	sst s5  }
0xe: {  	[smem:$0x3FB0] =	sst s6  }
0xf: {  	[smem:$0x3FB1] =	sst s7  }
0x10: {  	[smem:$0x3FB2] =	sst s8  }
0x11: {  	[smem:$0x3FB3] =	sst s9;
	s0 =	simm.s32 @!p0 $0x0  }
0x12: {  	s1 =	sld [smem:$0x3F99];
	s0 =	simm.s32 @p0 $0x1  }
0x13: {  	[smem:$0x3FB4] =	sst s0;
	s0 =	simm.s32 @!p1 $0x0  }
0x14: {  	s2 =	sld [smem:$0x3F98];
	s0 =	simm.s32 @p1 $0x1  }
0x15: {  	[smem:$0x3FB5] =	sst s0;
	s0 =	simm.s32 @!p2 $0x0  }
0x16: {  	s3 =	sld [smem:$0x3FDB];
	s0 =	simm.s32 @p2 $0x1  }
0x17: {  	s4 =	simm.s32 $0x1BF5;
	[smem:$0x3FB7] =	sst s0  }
0x18: {  	s0 =	sld [smem:$0x3F9A];
	_ =	swait.ge [sflag:s4], $0x0  }
0x19: {  	s7 =	sld [smem:$0x3F9B]  }
0x1a: {  	s8 =	sadd.s32 $0xFFFFE003, lr  }
0x1b: {  	s9 =	sadd.s32 $0xFFFFFEF7, lr;
	s5 =	simm.s32 $0xFFFFFFFF;
	p2 =	slt.u32 s8, $0xFFFFF086  }
0x1c: {  	p1 =	slt.u32 s9, $0xF7A;
	s5 =	simm.s32 @!p2 $0x0  }
0x1d: {  	s5 =	simm.s32 @p1 $0x1;
	p0 =	seq.s32 s7, s2  }
0x1e: {  	s7 =	smul.u32 @!p0 $0xF7A, s2;
	p2 =	seq.s32 @!p0 s5, $0x0  }
0x1f: {  	s9 =	smul.u32 $0xF7A, s1;
	s8 =	simm.s32 @!p0 $0x1BF5;
	p2 =	por !p2, p0  }
0x20: {  	[sflag:s8] =	ssyncset.s32 @!p0 $0xFFFFF086;
	s6 =	sadd.s32 @!p0 s3, s7;
	s7 =	simm.s32 @!p0 $0x108  }
0x21: {  	s3 =	sadd.s32 s3, s9;
	s6 =	sadd.s32 @!p0 $0x88, s6;
	s7 =	simm.s32 @p2 $0x1082  }
0x22: {  	[simem:s7], [sflag:s8] =	dma.local @!p0 [hbm:s6], $0xF7A  }
0x23: {  	s9 =	sor.u32 $0xD0000000, s2;
	s6 =	simm.s32 $0x108;
	_ =	swait.ge @!p0 [sflag:s8], $0x0  }
0x24: {  	s3 =	sadd.s32 $0x88, s3;
	s6 =	simm.s32 @!p1 $0x1082;
	[sflag:s4] =	ssyncset.s32 $0xFFFFF086  }
0x25: {  	[simem:s6], [sflag:s4] =	dma.local [hbm:s3], $0xF7A  }
0x26: {  	[smem:$0x3F9B] =	sst s1;
	(tag) =	ssettag s2;
	_ =	strace s9  }
0x27: {  	s1 =	sld [smem:$0x3FAB]  }
0x28: {  	s2 =	sld [smem:$0x3FAC]  }
0x29: {  	s4 =	sld [smem:$0x3FAE]  }
0x2a: {  	p0 =	seq.s32 s5, $0x0;
	s5 =	sld [smem:$0x3FAF]  }
0x2b: {  	s6 =	sld [smem:$0x3FB0]  }
0x2c: {  	s7 =	sld [smem:$0x3FB1]  }
0x2d: {  	s3 =	simm.s32 $0x108;
	s8 =	sld [smem:$0x3FB2]  }
0x2e: {  	s3 =	simm.s32 @!p0 $0x1082;
	s9 =	sld [smem:$0x3FB3]  }
0x2f: {  	lr =	sadd.s32 s0, s3;
	s0 =	sld [smem:$0x3FAA]  }
0x30: {  	s3 =	sld [smem:$0x3FAD]  }
0x31: {  	[smem:$0x3FB6] =	sst s10  }
0x32: {  	s10 =	sld [smem:$0x3FB4];
	_ =	sdelay $0x3  }
0x33: {  	p0 =	seq.s32 s10, $0x1;
	s10 =	sld [smem:$0x3FB6];
	_ =	sdelay $0x3  }
0x34: {  	[smem:$0x3FB6] =	sst s10  }
0x35: {  	s10 =	sld [smem:$0x3FB5];
	_ =	sdelay $0x3  }
0x36: {  	p1 =	seq.s32 s10, $0x1;
	s10 =	sld [smem:$0x3FB6];
	_ =	sdelay $0x3  }
0x37: {  	[smem:$0x3FB6] =	sst s10  }
0x38: {  	s10 =	sld [smem:$0x3FB7]  }
0x39: {  	_ = 	snop;
	(pc) =	sbr.ind lr, $3  }
0x3a: {  	_ = 	snop  }
0x3b: {  	_ = 	snop  }
0x3c: {  	p2 =	seq.s32 s10, $0x1;
	s10 =	sld [smem:$0x3FB6]  }
0x3d: {  	_ =	shalt  }
0x3e: {  	_ =	shalt  }
0x3f: {  	_ =	shalt  }
0x40: {  	_ =	shalt  }
0x41: {  	_ =	shalt  }
0x42: {  	_ =	shalt  }
0x43: {  	_ =	shalt  }
0x44: {  	_ =	shalt  }
0x45: {  	_ =	shalt  }
0x46: {  	_ =	shalt  }
0x47: {  	_ =	shalt  }
0x48: {  	_ =	shalt  }
0x49: {  	_ =	shalt  }
0x4a: {  	_ =	shalt  }
0x4b: {  	_ =	shalt  }
0x4c: {  	_ =	shalt  }
0x4d: {  	_ =	shalt  }
0x4e: {  	_ =	shalt  }
0x4f: {  	_ =	shalt  }
0x50: {  	_ =	shalt  }
0x51: {  	_ =	shalt  }
0x52: {  	_ =	shalt  }
0x53: {  	_ =	shalt  }
0x54: {  	_ =	shalt  }
0x55: {  	_ =	shalt  }
0x56: {  	_ =	shalt  }
0x57: {  	_ =	shalt  }
0x58: {  	_ =	shalt  }
0x59: {  	_ =	shalt  }
0x5a: {  	_ =	shalt  }
0x5b: {  	_ =	shalt  }
0x5c: {  	_ =	shalt  }
0x5d: {  	_ =	shalt  }
0x5e: {  	_ =	shalt  }
0x5f: {  	_ =	shalt  }
0x60: {  	_ =	shalt  }
0x61: {  	_ =	shalt  }
0x62: {  	_ =	shalt  }
0x63: {  	_ =	shalt  }
0x64: {  	_ =	shalt  }
0x65: {  	_ =	shalt  }
0x66: {  	_ =	shalt  }
0x67: {  	_ =	shalt  }
0x68: {  	_ =	shalt  }
0x69: {  	_ =	shalt  }
0x6a: {  	_ =	shalt  }
0x6b: {  	_ =	shalt  }
0x6c: {  	_ =	shalt  }
0x6d: {  	_ =	shalt  }
0x6e: {  	_ =	shalt  }
0x6f: {  	_ =	shalt  }
0x70: {  	_ =	shalt  }
0x71: {  	_ =	shalt  }
0x72: {  	_ =	shalt  }
0x73: {  	_ =	shalt  }
0x74: {  	_ =	shalt  }
0x75: {  	_ =	shalt  }
0x76: {  	_ =	shalt  }
0x77: {  	_ =	shalt  }
0x78: {  	_ =	shalt  }
0x79: {  	_ =	shalt  }
0x7a: {  	_ =	shalt  }
0x7b: {  	_ =	shalt  }
0x7c: {  	_ =	shalt  }
0x7d: {  	_ =	shalt  }
0x7e: {  	_ =	shalt  }
0x7f: {  	_ =	shalt  }
0x80: {  	_ =	shalt  }
0x81: {  	_ =	shalt  }
0x82: {  	_ =	shalt  }
0x83: {  	_ =	shalt  }
0x84: {  	_ =	shalt  }
0x85: {  	_ =	shalt  }
0x86: {  	_ =	shalt  }
0x87: {  	_ =	shalt  }
.Lfunc_end0:
.L_simem_size_0:
called_computation_lowered:
.L_overlay_start_0:
0x88: {  	s2 =	sld [smem:$0x3FD9]  }
0x89: {  	s3 =	sld [smem:$0x3FFE];
	_ =	sdelay $0x1  }
0x8a: {  	s1 =	srdreg.scid  }
0x8b: {  	s0 =	sand.u32 $0x1, s1  }
0x8c: {  	s16 =	sshll.u32 s0, $0xA;
	s2 =	sadd.s32 s3, s2  }
0x8d: {  	s2 =	sadd.s32 s2, s16  }
0x8e: {  	[smem:$0x3FC2] =	sst s2  }
0x8f: {  	_ = 	snop  }
0x90: {  	(tm) =	ssettm $0x1  }
0x91: {  	s17 =	sld [smem:$0x3FFB];
	_ =	sdelay $0x3  }
0x92: {  	_ =	strace s17  }
0x93: {  	s2 =	sld [smem:$0x3FFC];
	_ =	sdelay $0x3  }
0x94: {  	_ =	strace s2  }
0x95: {  	s2 =	sld [smem:$0x3FFD];
	_ =	sdelay $0x3  }
0x96: {  	_ =	strace s2  }
0x97: {  	_ =	strace $0x8FFFFFFF  }
0x98: {  	s18 =	sld [smem:$0x3FDB];
	_ =	sdelay $0x1  }
0x99: {  	s19 =	simm.s32 $_scs_section_size  }
0x9a: {  	s4 =	simm.s32 $_size__tile_overlayer_lowered;
	s5 =	simm.s32 $_tile_overlayer_lowered  }
0x9b: {  	s22 =	simm.s32 $0x1BFF;
	s21 =	sshll.u32 s5, $0x1;
	s2 =	sadd.s32 s19, s18  }
0x9c: {  	s6 =	simm.s32 $0x0;
	s20 =	sshll.u32 s4, $0x1;
	s4 =	sadd.s32 s21, s2  }
0x9d: {  	[timem:s6], [sflag:s22] =	dma.local [hbm:s4], s20  }
0x9e: {  	_ =	swait.ge [sflag:s22], s20  }
0x9f: {  	s3 =	ssub.s32 $0x0, s20;
	[sflag:s22] =	ssyncset.done $0x0  }
0xa0: {  	[sflag:s22] =	ssyncadd.s32 s3;
	_ =	sdelay $0x1  }
0xa1: {  	s23 =	simm.s32 $0x1B8B  }
0xa2: {  	_ =	swait.ge [sflag:s23], $0x1  }
0xa3: {  	[sflag:s23] =	ssyncset.done $0x0  }
0xa4: {  	s25 =	simm.s32 $0x1B8E;
	s24 =	sld [smem:$0x3FFE];
	[sflag:s23] =	ssyncadd.s32 $0xFFFFFFFF  }
0xa5: {  	s26 =	simm.s32 $execute0_lowered;
	[smem:$0x3FD2] =	sst s25  }
0xa6: {  	s4 =	sshll.u32 s26, $0x1;
	_ =	strace $0x80000046;
	[dreg:$0x1] =	wrdreg $0xFFFFFFFF  }
0xa7: {  	s28 =	simm.s32 $_size_execute0_lowered;
	s2 =	sadd.s32 s2, s4;
	[dreg:$0x0] =	wrdreg $0x0  }
0xa8: {  	s4 =	sshll.u32 s28, $0x1;
	[dreg:$0x2] =	wrdreg s2  }
0xa9: {  	[dreg:$0x3] =	wrdreg s4  }
0xaa: {  	[dreg:$0x4] =	wrdreg $0xC0  }
0xab: {  	_ =	task [dreg:s6], $0x5FFFF  }
0xac: {  	[dreg:$0x1] =	wrdreg $0xFFFFFFFF  }
0xad: {  	[dreg:$0x0] =	wrdreg $0x60  }
0xae: {  	[dreg:$0x2] =	wrdreg s24  }
0xaf: {  	[dreg:$0x3] =	wrdreg $0x12F200  }
0xb0: {  	[dreg:$0x4] =	wrdreg $0x9  }
0xb1: {  	_ =	task.clear_ibuf [dreg:s6], $0x5FFFF;
	_ =	strace $0x90000046  }
0xb2: {  	s29 =	simm.s32 $0x9;
	_ =	strace $0x80000048  }
0xb3: {  	_ =	swait.ge [sflag:s29], $0x1  }
0xb4: {  	[sflag:s29] =	ssyncadd.s32 $0xFFFFFFFF  }
0xb5: {  	_ =	strace $0x90000048  }
0xb6: {  	_ =	sfence  }
0xb7: {  	s30 =	sld [smem:$0x0];
	_ =	sdelay $0x2  }
0xb8: {  	s31 =	sshll.u32 s1, $0xD;
	s1 =	sshrl.u32 s1, $0x2  }
0xb9: {  	s3 =	sand.u32 $0x4000, s31;
	s1 =	sadd.s32 s1, s30  }
0xba: {  	s0 =	sor.u32 s3, s0;
	s1 =	sshll.u32 s1, $0x11  }
0xbb: {  	s0 =	sor.u32 s1, s0  }
0xbc: {  	s0 =	sadd.s32 $0x8F2B, s0  }
0xbd: {  	[sflag:s0] =	ssyncadd.remote.s32 $0x1  }
0xbe: {  	_ =	sfence.sel $0xFFFF  }
0xbf: {  	[dreg:$0x0] =	wrdreg $0xFFFFFFFF;
	(pc) =	sbr.abs _section_cstart, $3  }
0xc0: {  	[dreg:$0x1] =	wrdreg $0xFFFFFFFF  }
0xc1: {  	_ =	task.clear_ibuf [dreg:s6], $0x2FFFF;
	_ =	strace $0x9FFFFFFF  }
0xc2: {  	(tm) =	ssettm $0x7FFFFFFF  }
0xc3: {  	_ =	shalt  }
tec
execute0_lowered:
.L_overlay_start_1:
0x0: {  	(tag) =	ssettag $0x1  }
0x1: {  	s0 =	rddreg [dreg:$0x0]  }
0x2: {  	s1 =	rddreg [dreg:$0x1];
	s3 =	simm.s32 $0x0;
	s11 =	stileid.u32  }
0x3: {  	s6 =	srdreg.scid;
	s19 =	simm.s32 $0x7;
	s28 =	simm.s32 $0x9920  }
0x4: {  	s29 =	simm.s32 $0xCB20;
	s30 =	simm.s32 $0x3;
	s31 =	simm.s32 $0x6720  }
0x5: {  	[smem:$0x7FF] =	sst s3;
	s4 =	sadd.s32 $0x1DE00, s0;
	s2 =	smul.u32 $0x9C40, s11  }
0x6: {  	s5 =	sadd.s32 $0x14000, s0;
	s6 =	sand.u32 $0x1, s6;
	s7 =	sshll.u32 s11, $0x1  }
0x7: {  	s21 =	sshll.u32 s11, $0x6;
	_ =	strace $0x80000047;
	s9 =	ssub.s32 $0x2, s6  }
0x8: {  	s6 =	sor.u32 s6, s7;
	s7 =	sadd.s32 $0x27C00, s0;
	s8 =	sshrl.u32 s2, $0x3  }
0x9: {  	s10 =	sshrl.u32 s9, $0x1;
	s6 =	smul.u32 $0x2710, s6;
	s2 =	sadd.s32 s2, s1  }
0xa: {  	s8 =	sadd.s32 s8, s0;
	s20 =	ssub.s32 s9, s10;
	s18 =	sshrl.u32 s2, $0x3  }
0xb: {  	s0 =	simm.s32 $0xFD20;
	s2 =	simm.s32 $0x5;
	s8 =	sadd.s32 $0x600, s8  }
0xc: {  	s9 =	sadd.s32 $0xC8, s6;
	s22 =	sshrl.u32 s6, $0x3;
	s15 =	sadd.s32 $0x190, s6  }
0xd: {  	s16 =	sadd.s32 $0x258, s6;
	s17 =	smax.u32 s20, $0x1;
	s20 =	simm.s32 $0xC8  }
0xe: {  	[dreg:$0x3] =	wrdreg s8;
	s8 =	sor.u32 $0x1C07, s21;
	s23 =	sshrl.u32 s9, $0x3  }
0xf: {  	s24 =	sadd.s32 s4, s22;
	s21 =	simm.s32 $0x190;
	[dreg:$0x4] =	wrdreg s8  }
0x10: {  	[dreg:$0x5] =	wrdreg s24;
	s8 =	sadd.s32 s5, s22;
	s25 =	sadd.s32 s4, s23  }
0x11: {  	s26 =	sadd.s32 s5, s23;
	s22 =	simm.s32 $0x258;
	[dreg:$0x6] =	wrdreg s8  }
0x12: {  	s23 =	simm.s32 $0x1;
	s24 =	simm.s32 $0x6;
	[dreg:$0x7] =	wrdreg s25  }
0x13: {  	[dreg:$0x8] =	wrdreg s26;
	s26 =	simm.s32 $0x2;
	s25 =	simm.s32 $0x0  }
.LBB2_1:
0x14: {  	s8 =	rddreg [dreg:$0x3]  }
0x15: {  	s10 =	rddreg [dreg:$0x4]  }
0x16: {  	[spmem:s18], [sflag:s10] =	dma.local [hbm:s8], $0x1388  }
0x17: {  	_ =	swait.ge [sflag:s19], $0x1388  }
0x18: {  	[sflag:s19] =	ssyncset.done $0x0  }
0x19: {  	[sflag:s19] =	ssyncadd.s32 $0xFFFFEC78  }
0x1a: {  	[bflag:$0x0] =	sbarrier.arrive $0xFFFF  }
0x1b: {  	s14 =	rddreg [dreg:$0x5]  }
0x1c: {  	[tilespmem:s3], [sflag:$0x1] =	stream.linear.gather [hbm4b:s14+s3], $0xC8, $0x38;
	[tilespmem:$0x1CB60] =	vst v63  }
0x1d: {  	s10 =	rddreg [dreg:$0x6]  }
0x1e: {  	[tilespmem:s20], [sflag:$0x1] =	stream.linear.gather [hbm4b:s10+s3], $0xC8, $0x38;
	[tilespmem:$0x1CB60] =	vst v63  }
0x1f: {  	s11 =	rddreg [dreg:$0x7]  }
0x20: {  	[tilespmem:s21], [sflag:$0x2] =	stream.linear.gather [hbm4b:s11+s3], $0xC8, $0x38;
	[tilespmem:$0x1CB60] =	vst v63  }
0x21: {  	s12 =	rddreg [dreg:$0x8]  }
0x22: {  	[tilespmem:s22], [sflag:$0x2] =	stream.linear.gather [hbm4b:s12+s3], $0xC8, $0x38;
	[tilespmem:$0x1CB60] =	vst v63  }
0x23: {  	_ =	swait.ge [sflag:s23], $0xC8  }
0x24: {  	[sflag:s23] =	ssyncset.done $0x0  }
0x25: {  	[sflag:s23] =	ssyncadd.s32 $0xFFFFFF38  }
0x26: {  	_ =	swait.ge [sflag:s23], $0xC8  }
0x27: {  	[sflag:s23] =	ssyncset.done $0x0  }
0x28: {  	s13 =	simm.s32 $0x320;
	[sflag:s23] =	ssyncadd.s32 $0xFFFFFF38  }
0x29: {  	[tilespmem:s13], [sflag:$0x3] =	stream.indirect.gather [spmem:s1], $0x40, s3, s20, $0xb8;
	[tilespmem:$0x1CB60] =	vst v63  }
0x2a: {  	s8 =	simm.s32 $0x0;
	s14 =	simm.s32 $0x3520  }
0x2b: {  	[tilespmem:s14], [sflag:$0x3] =	stream.indirect.gather [spmem:s1], $0x40, s20, s20, $0xb8;
	[tilespmem:$0x1CB60] =	vst v63  }
.LBB2_2:
0x2c: {  	_ =	swait.ge [sflag:s26], $0xC8  }
0x2d: {  	[sflag:s26] =	ssyncset.done $0x0  }
0x2e: {  	[sflag:s26] =	ssyncadd.s32 $0xFFFFFF38  }
0x2f: {  	_ =	swait.ge [sflag:s26], $0xC8  }
0x30: {  	[sflag:s26] =	ssyncset.done $0x0  }
0x31: {  	[sflag:s26] =	ssyncadd.s32 $0xFFFFFF38  }
0x32: {  	[tilespmem:s28], [sflag:$0x4] =	stream.indirect.gather [spmem:s1], $0x40, s21, s20, $0xb8;
	[tilespmem:$0x1CB60] =	vst v63  }
0x33: {  	_ = 	snop  }
0x34: {  	[tilespmem:s29], [sflag:$0x4] =	stream.indirect.gather [spmem:s1], $0x40, s22, s20, $0xb8;
	[tilespmem:$0x1CB60] =	vst v63  }
0x35: {  	p0 =	seq.s32 s8, $0x18;
	_ =	swait.ge [sflag:s30], $0x3200  }
0x36: {  	s10 =	smul.u32 @!p0 $0x190, s8;
	[sflag:s30] =	ssyncset.done $0x0  }
0x37: {  	p1 =	seq.s32 @!p0 s8, $0x0;
	[sflag:s30] =	ssyncadd.s32 $0xFFFFCE00  }
0x38: {  	p1 =	por p0, !p1;
	s10 =	sadd.s32 @!p0 s10, s15;
	_ =	swait.ge [sflag:s30], $0x3200  }
.Ltmp0:
0x39: {  	s10 =	sshrl.u32 @!p0 s10, $0x3;
	[sflag:s30] =	ssyncset.done $0x0;
	(pc) =	sbr.rel @!p1 .LBB2_3-.Ltmp0, $4  }
0x3a: {  	s12 =	simm.s32 @!p0 $0x0;
	s11 =	sadd.s32 @!p0 s4, s10;
	[sflag:s30] =	ssyncadd.s32 $0xFFFFCE00  }
0x3b: {  	[tilespmem:s12], [sflag:$0x1] =	stream.linear.gather @!p0 [hbm4b:s11+s12], $0xC8, $0x38;
	[tilespmem:$0x1CB60] =	vst v63  }
0x3c: {  	s10 =	sadd.s32 @!p0 s5, s10;
	s11 =	simm.s32 @!p0 $0xC8  }
0x3d: {  	[tilespmem:s11], [sflag:$0x1] =	stream.linear.gather @!p0 [hbm4b:s10+s12], $0xC8, $0x38;
	[tilespmem:$0x1CB60] =	vst v63  }
.Ltmp1:
0x3e: {  	(pc) =	sbr.rel .LBB2_5-.Ltmp1, $4  }
0x3f: {  	_ = 	snop  }
0x40: {  	_ =	swait.ge [sflag:s2], $0x3200  }
0x41: {  	[sflag:s2] =	ssyncset.done $0x0  }
0x42: {  	p1 =	por $0x0, $0x0;
	[sflag:s2] =	ssyncadd.s32 $0xFFFFCE00  }
.LBB2_3:
0x43: {  	p1 =	por @!p0 $0x1, $0x1  }
.LBB2_5:
0x44: {  	s10 =	simm.s32 $0x0  }
0x45: {  	v0 =	vld [tilespmem:s10+$0x390]  }
0x46: {  	v1 =	vld [tilespmem:s10+$0x3590]  }
0x47: {  	v2 =	vld [tilespmem:s10+$0x320]  }
0x48: {  	v4 =	vld [tilespmem:s10+$0x330]  }
0x49: {  	v5 =	vld [tilespmem:s10+$0x3530]  }
0x4a: {  	v7 =	vld [tilespmem:s10+$0x340]  }
0x4b: {  	v9 =	vld [tilespmem:s10+$0x3540]  }
0x4c: {  	v18 =	vld [tilespmem:s10+$0x3570];
	v6 =	vshll.u32 v0, $0x10  }
0x4d: {  	v3 =	vld [tilespmem:s10+$0x3520];
	v0 =	vand.u32 $0xFFFF0000, v0;
	v8 =	vshll.u32 v1, $0x10;
	v1 =	vand.u32 $0xFFFF0000, v1  }
0x4e: {  	v14 =	vld [tilespmem:s10+$0x3560];
	v10 =	vshll.u32 v2, $0x10;
	v2 =	vand.u32 $0xFFFF0000, v2;
	v12 =	vshll.u32 v4, $0x10  }
0x4f: {  	v4 =	vand.u32 $0xFFFF0000, v4;
	v15 =	vshll.u32 v5, $0x10;
	v5 =	vand.u32 $0xFFFF0000, v5  }
0x50: {  	v11 =	vld [tilespmem:s10+$0x3550];
	v16 =	vshll.u32 v7, $0x10;
	v7 =	vand.u32 $0xFFFF0000, v7;
	v17 =	vshll.u32 v9, $0x10  }
0x51: {  	v13 =	vld [tilespmem:s10+$0x360];
	v60 =	vshll.u32 v18, $0x10;
	v18 =	vand.u32 $0xFFFF0000, v18;
	v6 =	vmul.f32 v8, v6  }
0x52: {  	v0 =	vmul.f32 v1, v0;
	v8 =	vshll.u32 v3, $0x10;
	v3 =	vand.u32 $0xFFFF0000, v3  }
0x53: {  	v12 =	vmul.f32 v15, v12;
	v15 =	vshll.u32 v14, $0x10;
	v4 =	vmul.f32 v5, v4  }
0x54: {  	v14 =	vand.u32 $0xFFFF0000, v14;
	v16 =	vmul.f32 v17, v16;
	v8 =	vmul.f32 v8, v10  }
0x55: {  	v1 =	vld [tilespmem:s10+$0x350];
	v10 =	vshll.u32 v11, $0x10;
	v11 =	vand.u32 $0xFFFF0000, v11;
	v2 =	vmul.f32 v3, v2  }
0x56: {  	v19 =	vld [tilespmem:s10+$0x380];
	v3 =	vshll.u32 v13, $0x10;
	v6 =	vadd.s32 $0x8000, v6;
	v0 =	vadd.s32 $0x8000, v0  }
0x57: {  	v20 =	vld [tilespmem:s10+$0x3580];
	v3 =	vmul.f32 v15, v3;
	v6 =	vshrl.u32 v6, $0x10;
	v0 =	vand.u32 $0xFFFF0000, v0  }
0x58: {  	v13 =	vand.u32 $0xFFFF0000, v13;
	v15 =	vadd.s32 $0x8000, v16;
	v0 =	vor.u32 v0, v6  }
0x59: {  	v8 =	vadd.s32 $0x8000, v8;
	v63 =	vadd.s32 $0x8000, v3;
	[tilespmem:s10+$0x6790] =	vst v0;
	v0 =	vand.u32 $0xFFFF0000, v9  }
0x5a: {  	v9 =	vshll.u32 v1, $0x10;
	v1 =	vand.u32 $0xFFFF0000, v1;
	v0 =	vmul.f32 v0, v7  }
0x5b: {  	v7 =	vshll.u32 v19, $0x10;
	v19 =	vand.u32 $0xFFFF0000, v19;
	v9 =	vmul.f32 v10, v9  }
0x5c: {  	v6 =	vld [tilespmem:s10+$0x370];
	v10 =	vshll.u32 v20, $0x10;
	v20 =	vand.u32 $0xFFFF0000, v20;
	v1 =	vmul.f32 v11, v1  }
0x5d: {  	v11 =	vadd.s32 $0x8000, v2;
	v2 =	vmul.f32 v14, v13;
	v14 =	vadd.s32 $0x8000, v12  }
0x5e: {  	v7 =	vmul.f32 v10, v7;
	v10 =	vadd.s32 $0x8000, v4;
	v12 =	vmul.f32 v20, v19  }
0x5f: {  	v0 =	vadd.s32 $0x8000, v0;
	v61 =	vadd.s32 $0x8000, v9;
	v62 =	vadd.s32 $0x8000, v1  }
0x60: {  	v9 =	vshrl.u32 v8, $0x10;
	v10 =	vand.u32 $0xFFFF0000, v10;
	v8 =	vshrl.u32 v63, $0x10  }
0x61: {  	v5 =	vshll.u32 v6, $0x10;
	v6 =	vand.u32 $0xFFFF0000, v6;
	v1 =	vadd.s32 $0x8000, v12  }
0x62: {  	v12 =	vand.u32 $0xFFFF0000, v11;
	v13 =	vmul.f32 v60, v5;
	v6 =	vmul.f32 v18, v6  }
0x63: {  	v11 =	vand.u32 $0xFFFF0000, v0;
	v5 =	vadd.s32 $0x8000, v2;
	v2 =	vadd.s32 $0x8000, v7  }
0x64: {  	s11 =	simm.s32 $0x80;
	v7 =	vshrl.u32 v15, $0x10;
	v3 =	vadd.s32 $0x8000, v13;
	v4 =	vadd.s32 $0x8000, v6  }
0x65: {  	s12 =	simm.s32 $0x400;
	v0 =	vld [tilespmem:s11+$0x390];
	v6 =	vshrl.u32 v14, $0x10;
	v13 =	vshrl.u32 v61, $0x10;
	v14 =	vand.u32 $0xFFFF0000, v62  }
.LBB2_6:
0x66: {  	p2 =	sne.s32 s12, $0xC600;
	v15 =	vld [tilespmem:s11+$0x3590];
	v5 =	vand.u32 $0xFFFF0000, v5;
	v3 =	vshrl.u32 v3, $0x10;
	v4 =	vand.u32 $0xFFFF0000, v4  }
0x67: {  	v9 =	vor.u32 v12, v9;
	v2 =	vshrl.u32 v2, $0x10;
	v1 =	vand.u32 $0xFFFF0000, v1;
	v16 =	vld [tilespmem:s11+$0x320]  }
0x68: {  	v6 =	vor.u32 v10, v6;
	v7 =	vor.u32 v11, v7;
	v12 =	vld [tilespmem:s11+$0x3520];
	[tilespmem:s10+$0x6720] =	vst v9;
	v9 =	vor.u32 v14, v13  }
0x69: {  	v5 =	vor.u32 v5, v8;
	v3 =	vor.u32 v4, v3;
	v1 =	vor.u32 v1, v2;
	v10 =	vld [tilespmem:s11+$0x330];
	[tilespmem:s10+$0x6730] =	vst v6  }
0x6a: {  	v2 =	vld [tilespmem:s11+$0x3530];
	v4 =	vshll.u32 v0, $0x10;
	[tilespmem:s10+$0x6740] =	vst v7  }
0x6b: {  	v0 =	vand.u32 $0xFFFF0000, v0;
	v6 =	vld [tilespmem:s11+$0x340];
	v7 =	vshll.u32 v15, $0x10;
	v8 =	vand.u32 $0xFFFF0000, v15;
	[tilespmem:s10+$0x6750] =	vst v9  }
0x6c: {  	v9 =	vshll.u32 v16, $0x10;
	v11 =	vld [tilespmem:s11+$0x3540];
	v4 =	vmul.f32 v7, v4;
	v0 =	vmul.f32 v8, v0;
	[tilespmem:s10+$0x6760] =	vst v5  }
0x6d: {  	v5 =	vand.u32 $0xFFFF0000, v16;
	v7 =	vshll.u32 v12, $0x10;
	v8 =	vand.u32 $0xFFFF0000, v12;
	v12 =	vld [tilespmem:s11+$0x350];
	[tilespmem:s10+$0x6770] =	vst v3  }
0x6e: {  	v3 =	vshll.u32 v10, $0x10;
	v13 =	vld [tilespmem:s11+$0x3550];
	v4 =	vadd.s32 $0x8000, v4;
	v0 =	vadd.s32 $0x8000, v0;
	[tilespmem:s10+$0x6780] =	vst v1;
	s10 =	smov.u32 s11  }
0x6f: {  	v1 =	vand.u32 $0xFFFF0000, v10;
	v10 =	vld [tilespmem:s10+$0x360];
	v4 =	vshrl.u32 v4, $0x10;
	v0 =	vand.u32 $0xFFFF0000, v0  }
0x70: {  	v14 =	vshll.u32 v2, $0x10;
	v2 =	vand.u32 $0xFFFF0000, v2;
	v15 =	vld [tilespmem:s10+$0x3560];
	v0 =	vor.u32 v0, v4  }
0x71: {  	v4 =	vshll.u32 v6, $0x10;
	v6 =	vand.u32 $0xFFFF0000, v6;
	v16 =	vshll.u32 v11, $0x10;
	v17 =	vld [tilespmem:s10+$0x370];
	[tilespmem:s10+$0x6790] =	vst v0  }
0x72: {  	v0 =	vand.u32 $0xFFFF0000, v11;
	v11 =	vshll.u32 v12, $0x10;
	v12 =	vand.u32 $0xFFFF0000, v12;
	v18 =	vld [tilespmem:s10+$0x3570]  }
0x73: {  	v7 =	vmul.f32 v7, v9;
	v9 =	vshll.u32 v13, $0x10;
	v13 =	vand.u32 $0xFFFF0000, v13;
	v19 =	vld [tilespmem:s10+$0x380]  }
0x74: {  	v5 =	vmul.f32 v8, v5;
	v8 =	vshll.u32 v10, $0x10;
	v10 =	vand.u32 $0xFFFF0000, v10;
	v20 =	vld [tilespmem:s10+$0x3580]  }
0x75: {  	v3 =	vmul.f32 v14, v3;
	v14 =	vshll.u32 v15, $0x10;
	v15 =	vand.u32 $0xFFFF0000, v15  }
0x76: {  	v1 =	vmul.f32 v2, v1;
	v2 =	vshll.u32 v17, $0x10;
	v17 =	vand.u32 $0xFFFF0000, v17  }
0x77: {  	v4 =	vmul.f32 v16, v4;
	v16 =	vshll.u32 v18, $0x10;
	v18 =	vand.u32 $0xFFFF0000, v18  }
0x78: {  	v0 =	vmul.f32 v0, v6;
	v6 =	vshll.u32 v19, $0x10;
	v19 =	vand.u32 $0xFFFF0000, v19  }
0x79: {  	v9 =	vmul.f32 v9, v11;
	v11 =	vshll.u32 v20, $0x10;
	v20 =	vand.u32 $0xFFFF0000, v20  }
0x7a: {  	v7 =	vadd.s32 $0x8000, v7;
	v12 =	vmul.f32 v13, v12;
	v8 =	vmul.f32 v14, v8  }
0x7b: {  	v13 =	vadd.s32 $0x8000, v5;
	v5 =	vmul.f32 v15, v10;
	v2 =	vmul.f32 v16, v2  }
0x7c: {  	v10 =	vadd.s32 $0x8000, v3;
	v14 =	vmul.f32 v18, v17;
	v6 =	vmul.f32 v11, v6  }
0x7d: {  	v15 =	vadd.s32 $0x8000, v4;
	v11 =	vadd.s32 $0x8000, v1;
	v1 =	vmul.f32 v20, v19  }
0x7e: {  	v0 =	vadd.s32 $0x8000, v0;
	v16 =	vadd.s32 $0x8000, v9;
	v17 =	vadd.s32 $0x8000, v12  }
.Ltmp2:
0x7f: {  	v8 =	vadd.s32 $0x8000, v8;
	v5 =	vadd.s32 $0x8000, v5;
	v3 =	vadd.s32 $0x8000, v2;
	(pc) =	sbr.rel @p2 .LBB2_6-.Ltmp2, $4  }
0x80: {  	v4 =	vadd.s32 $0x8000, v14;
	v2 =	vadd.s32 $0x8000, v6;
	v1 =	vadd.s32 $0x8000, v1  }
0x81: {  	v9 =	vshrl.u32 v7, $0x10;
	v12 =	vand.u32 $0xFFFF0000, v13;
	v6 =	vshrl.u32 v10, $0x10  }
0x82: {  	s11 =	sshra.s32 s12, $0x2;
	v7 =	vshrl.u32 v15, $0x10;
	v10 =	vand.u32 $0xFFFF0000, v11;
	v11 =	vand.u32 $0xFFFF0000, v0  }
0x83: {  	s12 =	sadd.s32 $0x200, s12;
	v13 =	vshrl.u32 v16, $0x10;
	v8 =	vshrl.u32 v8, $0x10;
	v14 =	vand.u32 $0xFFFF0000, v17;
	v0 =	vld [tilespmem:s11+$0x390]  }
0x84: {  	v15 =	vld [tilespmem:s11+$0x3590]  }
0x85: {  	v16 =	vld [tilespmem:s11+$0x320];
	v9 =	vor.u32 v12, v9;
	v6 =	vor.u32 v10, v6;
	v5 =	vand.u32 $0xFFFF0000, v5  }
0x86: {  	v12 =	vld [tilespmem:s11+$0x3520];
	v3 =	vshrl.u32 v3, $0x10;
	v4 =	vand.u32 $0xFFFF0000, v4;
	v2 =	vshrl.u32 v2, $0x10;
	[tilespmem:s10+$0x6720] =	vst v9  }
0x87: {  	v1 =	vand.u32 $0xFFFF0000, v1;
	v5 =	vor.u32 v5, v8;
	v9 =	vld [tilespmem:s11+$0x330];
	[tilespmem:s10+$0x6730] =	vst v6;
	v6 =	vor.u32 v11, v7  }
0x88: {  	v3 =	vor.u32 v4, v3;
	v7 =	vld [tilespmem:s11+$0x3530];
	[tilespmem:s10+$0x6740] =	vst v6;
	v6 =	vor.u32 v14, v13;
	v4 =	vshll.u32 v0, $0x10  }
0x89: {  	v10 =	vld [tilespmem:s11+$0x340];
	[tilespmem:s10+$0x6750] =	vst v6;
	v0 =	vand.u32 $0xFFFF0000, v0;
	v8 =	vshll.u32 v15, $0x10;
	v11 =	vand.u32 $0xFFFF0000, v15  }
0x8a: {  	v1 =	vor.u32 v1, v2;
	v6 =	vld [tilespmem:s11+$0x3540];
	[tilespmem:s10+$0x6760] =	vst v5;
	v2 =	vmul.f32 v8, v4;
	v0 =	vmul.f32 v11, v0  }
0x8b: {  	v5 =	vld [tilespmem:s11+$0x350];
	[tilespmem:s10+$0x6770] =	vst v3;
	v4 =	vshll.u32 v16, $0x10;
	v8 =	vand.u32 $0xFFFF0000, v16;
	v11 =	vshll.u32 v12, $0x10  }
0x8c: {  	v3 =	vld [tilespmem:s11+$0x3550];
	[tilespmem:s10+$0x6780] =	vst v1;
	v1 =	vand.u32 $0xFFFF0000, v12;
	v13 =	vshll.u32 v9, $0x10;
	v9 =	vand.u32 $0xFFFF0000, v9  }
0x8d: {  	v4 =	vmul.f32 v11, v4;
	v2 =	vadd.s32 $0x8000, v2;
	v0 =	vadd.s32 $0x8000, v0  }
0x8e: {  	v15 =	vshll.u32 v7, $0x10;
	v7 =	vand.u32 $0xFFFF0000, v7;
	v1 =	vmul.f32 v1, v8  }
0x8f: {  	v2 =	vshrl.u32 v2, $0x10;
	v0 =	vand.u32 $0xFFFF0000, v0;
	v52 =	vshll.u32 v10, $0x10  }
0x90: {  	v12 =	vld [tilespmem:s11+$0x360];
	v10 =	vand.u32 $0xFFFF0000, v10;
	v13 =	vmul.f32 v15, v13;
	v7 =	vmul.f32 v7, v9  }
0x91: {  	v14 =	vld [tilespmem:s11+$0x3560];
	v4 =	vadd.s32 $0x8000, v4;
	v0 =	vor.u32 v0, v2;
	v1 =	vadd.s32 $0x8000, v1  }
0x92: {  	v18 =	vld [tilespmem:s11+$0x3570];
	v4 =	vshrl.u32 v4, $0x10;
	[tilespmem:s11+$0x6790] =	vst v0;
	v0 =	vshll.u32 v6, $0x10;
	v6 =	vand.u32 $0xFFFF0000, v6  }
0x93: {  	v19 =	vld [tilespmem:s11+$0x380];
	v17 =	vshll.u32 v5, $0x10;
	v5 =	vand.u32 $0xFFFF0000, v5;
	v7 =	vadd.s32 $0x8000, v7  }
0x94: {  	v20 =	vld [tilespmem:s11+$0x3580];
	v1 =	vand.u32 $0xFFFF0000, v1;
	v11 =	vshll.u32 v3, $0x10;
	v3 =	vand.u32 $0xFFFF0000, v3  }
0x95: {  	v0 =	vmul.f32 v0, v52;
	v6 =	vmul.f32 v6, v10;
	v7 =	vand.u32 $0xFFFF0000, v7  }
0x96: {  	v1 =	vor.u32 v1, v4;
	v8 =	vshll.u32 v12, $0x10;
	v12 =	vand.u32 $0xFFFF0000, v12  }
0x97: {  	v2 =	vld [tilespmem:s11+$0x370];
	v15 =	vshll.u32 v14, $0x10;
	v14 =	vand.u32 $0xFFFF0000, v14;
	v53 =	vshll.u32 v18, $0x10  }
0x98: {  	v18 =	vand.u32 $0xFFFF0000, v18;
	v10 =	vshll.u32 v19, $0x10;
	v19 =	vand.u32 $0xFFFF0000, v19  }
0x99: {  	v11 =	vmul.f32 v11, v17;
	v54 =	vshll.u32 v20, $0x10;
	v3 =	vmul.f32 v3, v5  }
0x9a: {  	v20 =	vand.u32 $0xFFFF0000, v20;
	v5 =	vmul.f32 v15, v8;
	v8 =	vmul.f32 v14, v12  }
0x9b: {  	v12 =	vadd.s32 $0x8000, v13;
	v10 =	vmul.f32 v54, v10;
	v0 =	vadd.s32 $0x8000, v0  }
0x9c: {  	v13 =	vmul.f32 v20, v19;
	v6 =	vadd.s32 $0x8000, v6;
	v9 =	vshll.u32 v2, $0x10  }
0x9d: {  	v2 =	vand.u32 $0xFFFF0000, v2;
	v11 =	vadd.s32 $0x8000, v11;
	v3 =	vadd.s32 $0x8000, v3  }
0x9e: {  	v12 =	vshrl.u32 v12, $0x10;
	v0 =	vshrl.u32 v0, $0x10;
	v4 =	vand.u32 $0xFFFF0000, v6  }
0x9f: {  	v9 =	vmul.f32 v53, v9;
	v2 =	vmul.f32 v18, v2;
	v5 =	vadd.s32 $0x8000, v5  }
0xa0: {  	v8 =	vadd.s32 $0x8000, v8;
	v10 =	vadd.s32 $0x8000, v10;
	v13 =	vadd.s32 $0x8000, v13  }
0xa1: {  	[tilespmem:s11+$0x6720] =	vst v1;
	v1 =	vor.u32 v7, v12;
	v6 =	vshrl.u32 v11, $0x10;
	v3 =	vand.u32 $0xFFFF0000, v3  }
0xa2: {  	v0 =	vor.u32 v4, v0;
	[tilespmem:s11+$0x6730] =	vst v1;
	v1 =	vshrl.u32 v5, $0x10;
	v4 =	vand.u32 $0xFFFF0000, v8  }
0xa3: {  	s10 =	smul.u32 $0x190, s8;
	v3 =	vor.u32 v3, v6;
	[tilespmem:s11+$0x6740] =	vst v0;
	v9 =	vadd.s32 $0x8000, v9;
	v2 =	vadd.s32 $0x8000, v2  }
0xa4: {  	v1 =	vor.u32 v4, v1;
	[tilespmem:s11+$0x6750] =	vst v3;
	v3 =	vshrl.u32 v10, $0x10;
	v4 =	vand.u32 $0xFFFF0000, v13  }
0xa5: {  	s12 =	sadd.s32 s6, s10;
	v0 =	vshrl.u32 v9, $0x10;
	v2 =	vand.u32 $0xFFFF0000, v2;
	[tilespmem:s11+$0x6760] =	vst v1;
	v1 =	vor.u32 v4, v3  }
0xa6: {  	s12 =	sshll.u32 s12, $0x3;
	v0 =	vor.u32 v2, v0;
	[tilespmem:s11+$0x6780] =	vst v1  }
0xa7: {  	s14 =	sadd.s32 s7, s12;
	[tilespmem:s11+$0x6770] =	vst v0;
	s11 =	simm.s32 @p0 $0x4  }
0xa8: {  	[hbm4b:s14+s3] =	stream.linear.scatter [tilespmem:s31], [sflag:$0x5], $0x3200, $0x38;
	[tilespmem:$0x1CB60] =	vst v63  }
0xa9: {  	_ =	swait.ge @p0 [sflag:s11], $0x3200  }
0xaa: {  	[sflag:s11] =	ssyncset.done @p0 $0x0  }
0xab: {  	[sflag:s11] =	ssyncadd.s32 @p0 $0xFFFFCE00  }
0xac: {  	_ =	swait.ge @p0 [sflag:s11], $0x3200  }
0xad: {  	[sflag:s11] =	ssyncset.done @p0 $0x0  }
0xae: {  	[sflag:s11] =	ssyncadd.s32 @p0 $0xFFFFCE00;
	s11 =	simm.s32 @!p0 $0x1  }
0xaf: {  	_ =	swait.ge @!p0 [sflag:s11], $0xC8  }
0xb0: {  	[sflag:s11] =	ssyncset.done @!p0 $0x0  }
0xb1: {  	[sflag:s11] =	ssyncadd.s32 @!p0 $0xFFFFFF38  }
0xb2: {  	_ =	swait.ge @!p0 [sflag:s11], $0xC8  }
0xb3: {  	s13 =	simm.s32 @!p0 $0x320;
	[sflag:s11] =	ssyncset.done @!p0 $0x0  }
0xb4: {  	s12 =	simm.s32 @!p0 $0x0;
	[sflag:s11] =	ssyncadd.s32 @!p0 $0xFFFFFF38;
	s11 =	simm.s32 @!p0 $0xC8  }
0xb5: {  	[tilespmem:s13], [sflag:$0x3] =	stream.indirect.gather @!p0 [spmem:s1], $0x40, s12, s11, $0xb8;
	[tilespmem:$0x1CB60] =	vst v63  }
0xb6: {  	s13 =	simm.s32 @!p0 $0x3520  }
0xb7: {  	[tilespmem:s13], [sflag:$0x3] =	stream.indirect.gather @!p0 [spmem:s1], $0x40, s11, s11, $0xb8;
	[tilespmem:$0x1CB60] =	vst v63  }
0xb8: {  	s11 =	simm.s32 @!p0 $0x4  }
0xb9: {  	_ =	swait.ge @!p0 [sflag:s11], $0x3200  }
0xba: {  	[sflag:s11] =	ssyncset.done @!p0 $0x0  }
0xbb: {  	[sflag:s11] =	ssyncadd.s32 @!p0 $0xFFFFCE00  }
0xbc: {  	s13 =	sadd.s32 @!p0 s10, s16;
	_ =	swait.ge @!p0 [sflag:s11], $0x3200  }
0xbd: {  	s13 =	sshrl.u32 @!p0 s13, $0x3;
	[sflag:s11] =	ssyncset.done @!p0 $0x0  }
0xbe: {  	s14 =	simm.s32 @!p0 $0x190;
	[sflag:s11] =	ssyncadd.s32 @!p0 $0xFFFFCE00;
	s11 =	sadd.s32 @!p0 s4, s13  }
0xbf: {  	[tilespmem:s14], [sflag:$0x2] =	stream.linear.gather @!p0 [hbm4b:s11+s12], $0xC8, $0x38;
	[tilespmem:$0x1CB60] =	vst v63  }
0xc0: {  	s11 =	sadd.s32 @!p0 s5, s13;
	s13 =	simm.s32 @!p0 $0x258  }
0xc1: {  	[tilespmem:s13], [sflag:$0x2] =	stream.linear.gather @!p0 [hbm4b:s11+s12], $0xC8, $0x38;
	[tilespmem:$0x1CB60] =	vst v63  }
0xc2: {  	s11 =	simm.s32 @!p1 $0x6  }
0xc3: {  	_ =	swait.ge @!p1 [sflag:s11], $0x3200  }
0xc4: {  	[sflag:s11] =	ssyncset.done @!p1 $0x0  }
0xc5: {  	[sflag:s11] =	ssyncadd.s32 @!p1 $0xFFFFCE00;
	s11 =	simm.s32 $0x0  }
0xc6: {  	v0 =	vld [tilespmem:s11+$0x9990]  }
0xc7: {  	v1 =	vld [tilespmem:s11+$0xCB90]  }
0xc8: {  	v2 =	vld [tilespmem:s11+$0x9920]  }
0xc9: {  	v4 =	vld [tilespmem:s11+$0x9930]  }
0xca: {  	v5 =	vld [tilespmem:s11+$0xCB30]  }
0xcb: {  	v7 =	vld [tilespmem:s11+$0x9940]  }
0xcc: {  	v9 =	vld [tilespmem:s11+$0xCB40]  }
0xcd: {  	v57 =	vld [tilespmem:s11+$0xCB70]  }
0xce: {  	v58 =	vld [tilespmem:s11+$0x9980];
	v6 =	vshll.u32 v0, $0x10  }
0xcf: {  	v59 =	vld [tilespmem:s11+$0xCB80];
	v0 =	vand.u32 $0xFFFF0000, v0;
	v8 =	vshll.u32 v1, $0x10;
	v1 =	vand.u32 $0xFFFF0000, v1  }
0xd0: {  	v3 =	vld [tilespmem:s11+$0xCB20];
	v10 =	vshll.u32 v2, $0x10;
	v2 =	vand.u32 $0xFFFF0000, v2;
	v12 =	vshll.u32 v4, $0x10  }
0xd1: {  	v14 =	vld [tilespmem:s11+$0xCB60];
	v4 =	vand.u32 $0xFFFF0000, v4;
	v15 =	vshll.u32 v5, $0x10;
	v5 =	vand.u32 $0xFFFF0000, v5  }
0xd2: {  	v11 =	vld [tilespmem:s11+$0xCB50];
	v55 =	vshll.u32 v7, $0x10;
	v7 =	vand.u32 $0xFFFF0000, v7;
	v56 =	vshll.u32 v9, $0x10  }
0xd3: {  	v13 =	vld [tilespmem:s11+$0x9960];
	v60 =	vshll.u32 v57, $0x10;
	v18 =	vand.u32 $0xFFFF0000, v57;
	v19 =	vand.u32 $0xFFFF0000, v58  }
0xd4: {  	v20 =	vand.u32 $0xFFFF0000, v59;
	v6 =	vmul.f32 v8, v6;
	v0 =	vmul.f32 v1, v0  }
0xd5: {  	v8 =	vshll.u32 v3, $0x10;
	v3 =	vand.u32 $0xFFFF0000, v3;
	v12 =	vmul.f32 v15, v12  }
0xd6: {  	v15 =	vshll.u32 v14, $0x10;
	v14 =	vand.u32 $0xFFFF0000, v14;
	v4 =	vmul.f32 v5, v4  }
0xd7: {  	v1 =	vld [tilespmem:s11+$0x9950];
	v16 =	vmul.f32 v56, v55;
	v8 =	vmul.f32 v8, v10;
	v10 =	vshll.u32 v11, $0x10  }
0xd8: {  	v11 =	vand.u32 $0xFFFF0000, v11;
	v2 =	vmul.f32 v3, v2;
	v3 =	vshll.u32 v13, $0x10  }
0xd9: {  	v13 =	vand.u32 $0xFFFF0000, v13;
	v6 =	vadd.s32 $0x8000, v6;
	v0 =	vadd.s32 $0x8000, v0  }
0xda: {  	v3 =	vmul.f32 v15, v3;
	v6 =	vshrl.u32 v6, $0x10;
	v0 =	vand.u32 $0xFFFF0000, v0  }
0xdb: {  	v15 =	vadd.s32 $0x8000, v16;
	v8 =	vadd.s32 $0x8000, v8;
	v0 =	vor.u32 v0, v6  }
0xdc: {  	v63 =	vadd.s32 $0x8000, v3;
	[tilespmem:s11+$0xFD90] =	vst v0;
	v0 =	vand.u32 $0xFFFF0000, v9;
	v9 =	vshll.u32 v1, $0x10  }
0xdd: {  	v1 =	vand.u32 $0xFFFF0000, v1;
	v0 =	vmul.f32 v0, v7;
	v7 =	vshll.u32 v58, $0x10  }
0xde: {  	v6 =	vld [tilespmem:s11+$0x9970];
	v9 =	vmul.f32 v10, v9;
	v10 =	vshll.u32 v59, $0x10;
	v1 =	vmul.f32 v11, v1  }
0xdf: {  	v11 =	vadd.s32 $0x8000, v2;
	v2 =	vmul.f32 v14, v13;
	v14 =	vadd.s32 $0x8000, v12  }
0xe0: {  	v12 =	vmul.f32 v20, v19;
	v7 =	vmul.f32 v10, v7;
	v10 =	vadd.s32 $0x8000, v4  }
0xe1: {  	v0 =	vadd.s32 $0x8000, v0;
	v61 =	vadd.s32 $0x8000, v9;
	v62 =	vadd.s32 $0x8000, v1  }
0xe2: {  	v1 =	vadd.s32 $0x8000, v12;
	v9 =	vshrl.u32 v8, $0x10;
	v12 =	vand.u32 $0xFFFF0000, v11  }
0xe3: {  	v10 =	vand.u32 $0xFFFF0000, v10;
	v5 =	vshll.u32 v6, $0x10;
	v6 =	vand.u32 $0xFFFF0000, v6  }
0xe4: {  	v8 =	vshrl.u32 v63, $0x10;
	v13 =	vmul.f32 v60, v5;
	v6 =	vmul.f32 v18, v6  }
0xe5: {  	v11 =	vand.u32 $0xFFFF0000, v0;
	v5 =	vadd.s32 $0x8000, v2;
	v2 =	vadd.s32 $0x8000, v7  }
0xe6: {  	s12 =	simm.s32 $0x80;
	v7 =	vshrl.u32 v15, $0x10;
	v3 =	vadd.s32 $0x8000, v13;
	v4 =	vadd.s32 $0x8000, v6  }
0xe7: {  	s13 =	simm.s32 $0x400;
	v0 =	vld [tilespmem:s12+$0x9990];
	v6 =	vshrl.u32 v14, $0x10;
	v13 =	vshrl.u32 v61, $0x10;
	v14 =	vand.u32 $0xFFFF0000, v62  }
.LBB2_8:
0xe8: {  	p0 =	sne.s32 s13, $0xC600;
	v15 =	vld [tilespmem:s12+$0xCB90];
	v5 =	vand.u32 $0xFFFF0000, v5;
	v3 =	vshrl.u32 v3, $0x10;
	v4 =	vand.u32 $0xFFFF0000, v4  }
0xe9: {  	v9 =	vor.u32 v12, v9;
	v2 =	vshrl.u32 v2, $0x10;
	v1 =	vand.u32 $0xFFFF0000, v1;
	v16 =	vld [tilespmem:s12+$0x9920]  }
0xea: {  	v6 =	vor.u32 v10, v6;
	v7 =	vor.u32 v11, v7;
	v12 =	vld [tilespmem:s12+$0xCB20];
	[tilespmem:s11+$0xFD20] =	vst v9;
	v9 =	vor.u32 v14, v13  }
0xeb: {  	v5 =	vor.u32 v5, v8;
	v3 =	vor.u32 v4, v3;
	v1 =	vor.u32 v1, v2;
	v10 =	vld [tilespmem:s12+$0x9930];
	[tilespmem:s11+$0xFD30] =	vst v6  }
0xec: {  	v2 =	vld [tilespmem:s12+$0xCB30];
	v4 =	vshll.u32 v0, $0x10;
	[tilespmem:s11+$0xFD40] =	vst v7  }
0xed: {  	v0 =	vand.u32 $0xFFFF0000, v0;
	v6 =	vld [tilespmem:s12+$0x9940];
	v7 =	vshll.u32 v15, $0x10;
	v8 =	vand.u32 $0xFFFF0000, v15;
	[tilespmem:s11+$0xFD50] =	vst v9  }
0xee: {  	v9 =	vshll.u32 v16, $0x10;
	v11 =	vld [tilespmem:s12+$0xCB40];
	v4 =	vmul.f32 v7, v4;
	v0 =	vmul.f32 v8, v0;
	[tilespmem:s11+$0xFD60] =	vst v5  }
0xef: {  	v5 =	vand.u32 $0xFFFF0000, v16;
	v7 =	vshll.u32 v12, $0x10;
	v8 =	vand.u32 $0xFFFF0000, v12;
	v12 =	vld [tilespmem:s12+$0x9950];
	[tilespmem:s11+$0xFD70] =	vst v3  }
0xf0: {  	v3 =	vshll.u32 v10, $0x10;
	v13 =	vld [tilespmem:s12+$0xCB50];
	v4 =	vadd.s32 $0x8000, v4;
	v0 =	vadd.s32 $0x8000, v0;
	[tilespmem:s11+$0xFD80] =	vst v1;
	s11 =	smov.u32 s12  }
0xf1: {  	v1 =	vand.u32 $0xFFFF0000, v10;
	v10 =	vld [tilespmem:s11+$0x9960];
	v4 =	vshrl.u32 v4, $0x10;
	v0 =	vand.u32 $0xFFFF0000, v0  }
0xf2: {  	v14 =	vshll.u32 v2, $0x10;
	v2 =	vand.u32 $0xFFFF0000, v2;
	v15 =	vld [tilespmem:s11+$0xCB60];
	v0 =	vor.u32 v0, v4  }
0xf3: {  	v4 =	vshll.u32 v6, $0x10;
	v6 =	vand.u32 $0xFFFF0000, v6;
	v16 =	vshll.u32 v11, $0x10;
	v17 =	vld [tilespmem:s11+$0x9970];
	[tilespmem:s11+$0xFD90] =	vst v0  }
0xf4: {  	v0 =	vand.u32 $0xFFFF0000, v11;
	v11 =	vshll.u32 v12, $0x10;
	v12 =	vand.u32 $0xFFFF0000, v12;
	v18 =	vld [tilespmem:s11+$0xCB70]  }
0xf5: {  	v7 =	vmul.f32 v7, v9;
	v9 =	vshll.u32 v13, $0x10;
	v13 =	vand.u32 $0xFFFF0000, v13;
	v19 =	vld [tilespmem:s11+$0x9980]  }
0xf6: {  	v5 =	vmul.f32 v8, v5;
	v8 =	vshll.u32 v10, $0x10;
	v10 =	vand.u32 $0xFFFF0000, v10;
	v20 =	vld [tilespmem:s11+$0xCB80]  }
0xf7: {  	v3 =	vmul.f32 v14, v3;
	v14 =	vshll.u32 v15, $0x10;
	v15 =	vand.u32 $0xFFFF0000, v15  }
0xf8: {  	v1 =	vmul.f32 v2, v1;
	v2 =	vshll.u32 v17, $0x10;
	v17 =	vand.u32 $0xFFFF0000, v17  }
0xf9: {  	v4 =	vmul.f32 v16, v4;
	v16 =	vshll.u32 v18, $0x10;
	v18 =	vand.u32 $0xFFFF0000, v18  }
0xfa: {  	v0 =	vmul.f32 v0, v6;
	v6 =	vshll.u32 v19, $0x10;
	v19 =	vand.u32 $0xFFFF0000, v19  }
0xfb: {  	v9 =	vmul.f32 v9, v11;
	v11 =	vshll.u32 v20, $0x10;
	v20 =	vand.u32 $0xFFFF0000, v20  }
0xfc: {  	v7 =	vadd.s32 $0x8000, v7;
	v12 =	vmul.f32 v13, v12;
	v8 =	vmul.f32 v14, v8  }
0xfd: {  	v13 =	vadd.s32 $0x8000, v5;
	v5 =	vmul.f32 v15, v10;
	v2 =	vmul.f32 v16, v2  }
0xfe: {  	v10 =	vadd.s32 $0x8000, v3;
	v14 =	vmul.f32 v18, v17;
	v6 =	vmul.f32 v11, v6  }
0xff: {  	v15 =	vadd.s32 $0x8000, v4;
	v11 =	vadd.s32 $0x8000, v1;
	v1 =	vmul.f32 v20, v19  }
0x100: {  	v0 =	vadd.s32 $0x8000, v0;
	v16 =	vadd.s32 $0x8000, v9;
	v17 =	vadd.s32 $0x8000, v12  }
.Ltmp3:
0x101: {  	v8 =	vadd.s32 $0x8000, v8;
	v5 =	vadd.s32 $0x8000, v5;
	v3 =	vadd.s32 $0x8000, v2;
	(pc) =	sbr.rel @p0 .LBB2_8-.Ltmp3, $4  }
0x102: {  	v4 =	vadd.s32 $0x8000, v14;
	v2 =	vadd.s32 $0x8000, v6;
	v1 =	vadd.s32 $0x8000, v1  }
0x103: {  	v9 =	vshrl.u32 v7, $0x10;
	v12 =	vand.u32 $0xFFFF0000, v13;
	v6 =	vshrl.u32 v10, $0x10  }
0x104: {  	s12 =	sshra.s32 s13, $0x2;
	v7 =	vshrl.u32 v15, $0x10;
	v10 =	vand.u32 $0xFFFF0000, v11;
	v11 =	vand.u32 $0xFFFF0000, v0  }
0x105: {  	s13 =	sadd.s32 $0x200, s13;
	v13 =	vshrl.u32 v16, $0x10;
	v8 =	vshrl.u32 v8, $0x10;
	v14 =	vand.u32 $0xFFFF0000, v17;
	v0 =	vld [tilespmem:s12+$0x9990]  }
0x106: {  	v15 =	vld [tilespmem:s12+$0xCB90]  }
0x107: {  	v16 =	vld [tilespmem:s12+$0x9920];
	v9 =	vor.u32 v12, v9;
	v6 =	vor.u32 v10, v6;
	v24 =	vor.u32 v11, v7  }
0x108: {  	v23 =	vld [tilespmem:s12+$0xCB20];
	v26 =	vor.u32 v14, v13;
	v5 =	vand.u32 $0xFFFF0000, v5;
	v3 =	vshrl.u32 v3, $0x10;
	[tilespmem:s11+$0xFD20] =	vst v9  }
0x109: {  	v4 =	vand.u32 $0xFFFF0000, v4;
	v2 =	vshrl.u32 v2, $0x10;
	v1 =	vand.u32 $0xFFFF0000, v1;
	v9 =	vld [tilespmem:s12+$0x9930]  }
0x10a: {  	v5 =	vor.u32 v5, v8;
	v3 =	vor.u32 v4, v3;
	v1 =	vor.u32 v1, v2;
	[tilespmem:s11+$0xFD30] =	vst v6  }
0x10b: {  	v25 =	vld [tilespmem:s12+$0xCB30];
	[tilespmem:s11+$0xFD40] =	vst v24;
	v28 =	vshll.u32 v0, $0x10;
	v29 =	vand.u32 $0xFFFF0000, v0;
	v30 =	vshll.u32 v15, $0x10  }
0x10c: {  	v27 =	vld [tilespmem:s12+$0x9940];
	[tilespmem:s11+$0xFD50] =	vst v26;
	v31 =	vand.u32 $0xFFFF0000, v15;
	v33 =	vshll.u32 v16, $0x10;
	v34 =	vand.u32 $0xFFFF0000, v16  }
0x10d: {  	v6 =	vld [tilespmem:s12+$0xCB40];
	[tilespmem:s11+$0xFD60] =	vst v5;
	v35 =	vshll.u32 v23, $0x10;
	v36 =	vand.u32 $0xFFFF0000, v23;
	v32 =	vmul.f32 v30, v28  }
0x10e: {  	v5 =	vld [tilespmem:s12+$0x9950];
	[tilespmem:s11+$0xFD70] =	vst v3;
	v0 =	vmul.f32 v31, v29;
	v4 =	vmul.f32 v35, v33;
	v38 =	vshll.u32 v9, $0x10  }
0x10f: {  	v3 =	vld [tilespmem:s12+$0xCB50];
	[tilespmem:s11+$0xFD80] =	vst v1;
	v9 =	vand.u32 $0xFFFF0000, v9;
	v1 =	vmul.f32 v36, v34;
	v2 =	vadd.s32 $0x8000, v32  }
0x110: {  	v0 =	vadd.s32 $0x8000, v0;
	v40 =	vshll.u32 v25, $0x10;
	v7 =	vand.u32 $0xFFFF0000, v25  }
0x111: {  	v4 =	vadd.s32 $0x8000, v4;
	v2 =	vshrl.u32 v2, $0x10;
	v0 =	vand.u32 $0xFFFF0000, v0  }
0x112: {  	v37 =	vld [tilespmem:s12+$0x9960];
	v42 =	vshll.u32 v27, $0x10;
	v10 =	vand.u32 $0xFFFF0000, v27;
	v13 =	vmul.f32 v40, v38  }
0x113: {  	v39 =	vld [tilespmem:s12+$0xCB60];
	v7 =	vmul.f32 v7, v9;
	v1 =	vadd.s32 $0x8000, v1;
	v4 =	vshrl.u32 v4, $0x10  }
0x114: {  	v41 =	vld [tilespmem:s12+$0x9970];
	v0 =	vor.u32 v0, v2;
	v43 =	vshll.u32 v6, $0x10;
	v6 =	vand.u32 $0xFFFF0000, v6  }
0x115: {  	v18 =	vld [tilespmem:s12+$0xCB70];
	v1 =	vand.u32 $0xFFFF0000, v1;
	v17 =	vshll.u32 v5, $0x10;
	v5 =	vand.u32 $0xFFFF0000, v5  }
0x116: {  	v19 =	vld [tilespmem:s12+$0x9980];
	[tilespmem:s12+$0xFD90] =	vst v0;
	v0 =	vmul.f32 v43, v42;
	v6 =	vmul.f32 v6, v10;
	v53 =	vadd.s32 $0x8000, v13  }
0x117: {  	v20 =	vld [tilespmem:s12+$0xCB80];
	v7 =	vadd.s32 $0x8000, v7;
	v1 =	vor.u32 v1, v4;
	v44 =	vshll.u32 v3, $0x10  }
0x118: {  	v3 =	vand.u32 $0xFFFF0000, v3;
	v7 =	vand.u32 $0xFFFF0000, v7;
	v45 =	vshll.u32 v37, $0x10  }
0x119: {  	v12 =	vand.u32 $0xFFFF0000, v37;
	v46 =	vshll.u32 v39, $0x10;
	v14 =	vand.u32 $0xFFFF0000, v39  }
0x11a: {  	v47 =	vshll.u32 v41, $0x10;
	v2 =	vand.u32 $0xFFFF0000, v41;
	v48 =	vshll.u32 v18, $0x10  }
0x11b: {  	v18 =	vand.u32 $0xFFFF0000, v18;
	v49 =	vshll.u32 v19, $0x10;
	v19 =	vand.u32 $0xFFFF0000, v19  }
0x11c: {  	v11 =	vmul.f32 v44, v17;
	v50 =	vshll.u32 v20, $0x10;
	v3 =	vmul.f32 v3, v5  }
0x11d: {  	v20 =	vand.u32 $0xFFFF0000, v20;
	v51 =	vmul.f32 v46, v45;
	v52 =	vmul.f32 v14, v12  }
0x11e: {  	v0 =	vadd.s32 $0x8000, v0;
	v9 =	vmul.f32 v48, v47;
	v2 =	vmul.f32 v18, v2  }
0x11f: {  	v6 =	vadd.s32 $0x8000, v6;
	v10 =	vmul.f32 v50, v49;
	v54 =	vmul.f32 v20, v19  }
0x120: {  	v12 =	vshrl.u32 v53, $0x10;
	v0 =	vshrl.u32 v0, $0x10;
	v55 =	vand.u32 $0xFFFF0000, v6  }
0x121: {  	v11 =	vadd.s32 $0x8000, v11;
	v3 =	vadd.s32 $0x8000, v3;
	v56 =	vor.u32 v7, v12  }
0x122: {  	v0 =	vor.u32 v55, v0;
	v5 =	vadd.s32 $0x8000, v51;
	v8 =	vadd.s32 $0x8000, v52  }
0x123: {  	[tilespmem:s12+$0xFD20] =	vst v1;
	v9 =	vadd.s32 $0x8000, v9;
	v2 =	vadd.s32 $0x8000, v2;
	v10 =	vadd.s32 $0x8000, v10  }
0x124: {  	s8 =	sadd.s32 $0x1, s8;
	v13 =	vadd.s32 $0x8000, v54;
	v57 =	vshrl.u32 v11, $0x10;
	v3 =	vand.u32 $0xFFFF0000, v3;
	[tilespmem:s12+$0xFD30] =	vst v56  }
0x125: {  	p0 =	sne.s32 s8, $0x19;
	[tilespmem:s12+$0xFD40] =	vst v0;
	v58 =	vshrl.u32 v5, $0x10;
	v59 =	vand.u32 $0xFFFF0000, v8;
	v3 =	vor.u32 v3, v57  }
.Ltmp4:
0x126: {  	s10 =	sadd.s32 s10, s9;
	v60 =	vshrl.u32 v9, $0x10;
	v2 =	vand.u32 $0xFFFF0000, v2;
	v1 =	vor.u32 v59, v58;
	[tilespmem:s12+$0xFD50] =	vst v3;
	(pc) =	sbr.rel @p0 .LBB2_2-.Ltmp4, $4  }
0x127: {  	s10 =	sshll.u32 s10, $0x3;
	v61 =	vshrl.u32 v10, $0x10;
	v62 =	vand.u32 $0xFFFF0000, v13;
	v0 =	vor.u32 v2, v60;
	[tilespmem:s12+$0xFD60] =	vst v1  }
0x128: {  	s10 =	sand.u32 $0x1FFFFFC0, s10;
	v63 =	vor.u32 v62, v61;
	[tilespmem:s12+$0xFD70] =	vst v0  }
0x129: {  	s10 =	sadd.s32 s7, s10;
	[tilespmem:s12+$0xFD80] =	vst v63  }
0x12a: {  	[hbm4b:s10+s3] =	stream.linear.scatter [tilespmem:s0], [sflag:$0x6], $0x3200, $0x38;
	[tilespmem:$0x1CB60] =	vst v63  }
0x12b: {  	s25 =	sadd.s32 $0x1, s25  }
0x12c: {  	_ =	swait.ge [sflag:s2], $0x3200;
	p0 =	sne.s32 s25, s17  }
.Ltmp5:
0x12d: {  	[sflag:s2] =	ssyncset.done $0x0;
	(pc) =	sbr.rel @p0 .LBB2_1-.Ltmp5, $4  }
0x12e: {  	[sflag:s2] =	ssyncadd.s32 $0xFFFFCE00  }
0x12f: {  	_ =	swait.ge [sflag:s24], $0x3200  }
0x130: {  	[sflag:s24] =	ssyncset.done $0x0  }
0x131: {  	[sflag:s24] =	ssyncadd.s32 $0xFFFFCE00  }
0x132: {  	_ =	sfence.sel $0x180000  }
0x133: {  	[bflag:$0x0] =	sbarrier.arrive $0xFFFF  }
0x134: {  	_ =	strace $0x90000047  }
0x135: {  	s0 =	stileid.u32;
	[bflag:$0x2] =	sbarrier.arrive $0xFFFF  }
0x136: {  	p0 =	sne.s32 s0, $0x0;
	s0 =	rddreg [dreg:$0x2]  }
0x137: {  	s0 =	sadd.s32 @!p0 $0x100000, s0  }
0x138: {  	[sflag:s0] =	ssyncadd.tile.s32 @!p0 $0x1;
	_ =	shalt  }
.Lfunc_end2:
_tile_overlayer_lowered:
.L_overlay_start_2:
0x139: {  	(tag) =	ssettag $0x2  }
0x13a: {  	s0 =	rddreg [dreg:$0x0];
	s2 =	stileid.u32  }
0x13b: {  	s1 =	rddreg [dreg:$0x1];
	p0 =	sne.s32 s2, $0x0  }
0x13c: {  	s3 =	rddreg [dreg:$0x2];
	[bflag:$0x3] =	sbarrier.arrive $0xFFFF;
	s2 =	simm.s32 @!p0 $0x1C07  }
0x13d: {  	[timem:s3], [sflag:s2] =	dma.local @!p0 [hbm:s0], s1  }
0x13e: {  	s0 =	simm.s32 @!p0 $0x7  }
0x13f: {  	_ =	swait.ge @!p0 [sflag:s0], s1  }
0x140: {  	s1 =	ssub.s32 @!p0 $0x0, s1;
	[sflag:s0] =	ssyncset.done @!p0 $0x0  }
0x141: {  	[sflag:s0] =	ssyncadd.s32 @!p0 s1  }
0x142: {  	[bflag:$0x3] =	sbarrier.arrive $0xFFFF  }
0x143: {  	_ =	shalt  }

</sc_bundles>
